<compile_context>
chip_gen: v7x
topology: tpu7x:2x2x1
jax: 0.10.2.dev20260603
libtpu: 0.0.44.dev20260713+nightly
codegen_flags: <defaults>
</compile_context>

<pallas_src>
import jax
import jax.numpy as jnp
from jax import lax
from jax.experimental import pallas as pl
from jax.experimental.pallas import tpu as pltpu
from jax.experimental.pallas import tpu_sc as plsc

VOCAB = 100000
EMBED_DIM = 64
BATCH = 4096
HIST_LEN = 200

N = BATCH * HIST_LEN
NC = 2
NS = 16
NW = NC * NS
B_PER_W = N // NW
CHUNK = 128
NBUF = 8
HALF = NBUF // 2
N_CHUNKS = B_PER_W // CHUNK
N_STEPS = N_CHUNKS // NBUF


def _gather_body(table_hbm, idx_hbm, out_hbm, idx_v, rows_v, *sems):
    gsems = sems[:NBUF]
    ssems = sems[NBUF:]
    wid = lax.axis_index("s") * NC + lax.axis_index("c")
    base = wid * B_PER_W
    pltpu.sync_copy(idx_hbm.at[pl.ds(base, B_PER_W)], idx_v)

    def rows_ref(b):
        return rows_v.at[pl.ds(b * CHUNK, CHUNK)]

    def fire_gather(c, b):
        pltpu.async_copy(
            table_hbm.at[idx_v.at[pl.ds(c * CHUNK, CHUNK)]], rows_ref(b), gsems[b]
        )

    def wait_gather(b):
        pltpu.make_async_copy(
            table_hbm.at[idx_v.at[pl.ds(0, CHUNK)]], rows_ref(b), gsems[b]
        ).wait()

    def fire_store(c, b):
        pltpu.async_copy(
            rows_ref(b), out_hbm.at[pl.ds(base + c * CHUNK, CHUNK)], ssems[b]
        )

    def wait_store(b):
        pltpu.make_async_copy(
            rows_ref(b), out_hbm.at[pl.ds(base, CHUNK)], ssems[b]
        ).wait()

    for b in range(HALF):
        fire_gather(b, b)

    for b in range(NBUF):
        wait_gather(b)
        fire_store(b, b)
        b2 = (b + HALF) % NBUF
        if b < HALF:
            fire_gather(b + HALF, b2)
        else:
            wait_store(b2)
            fire_gather(b + HALF, b2)

    @pl.loop(1, N_STEPS - 1)
    def _step(s):
        c0 = s * NBUF
        for b in range(NBUF):
            wait_gather(b)
            fire_store(c0 + b, b)
            b2 = (b + HALF) % NBUF
            wait_store(b2)
            fire_gather(c0 + b + HALF, b2)

    c0 = (N_STEPS - 1) * NBUF
    for b in range(NBUF):
        wait_gather(b)
        fire_store(c0 + b, b)
        b2 = (b + HALF) % NBUF
        wait_store(b2)
        if b < HALF:
            fire_gather(c0 + b + HALF, b2)
    for b in range(HALF, NBUF):
        wait_store(b)


@jax.jit
def _gather(table, idx_flat):
    run = pl.kernel(
        _gather_body,
        out_type=jax.ShapeDtypeStruct((N, EMBED_DIM), jnp.float32),
        mesh=plsc.VectorSubcoreMesh(core_axis_name="c", subcore_axis_name="s"),
        scratch_types=[
            pltpu.VMEM((B_PER_W,), jnp.int32),
            pltpu.VMEM((NBUF * CHUNK, EMBED_DIM), jnp.float32),
        ]
        + [pltpu.SemaphoreType.DMA] * (2 * NBUF),
        compiler_params=pltpu.CompilerParams(use_tc_tiling_on_sc=False),
    )
    return run(table, idx_flat)


def kernel(table, index):
    idx_flat = index.reshape(-1).astype(jnp.int32)
    out = _gather(table, idx_flat)
    return out.reshape(BATCH, HIST_LEN, EMBED_DIM)

# --- scband reference (transcript-rebuilt; emitter-appended) ---
"""Pipeline reference for scband-glove-embedding-pre-trained-weights-19825569038548 (READ-ONLY COPY).

The authoritative reference and input builder live on the scoring server;
editing this copy changes nothing except your own understanding.
"""

import jax, jax.numpy as jnp
import numpy as np

VOCAB = 100000
EMBED_DIM = 64
BATCH = 4096
HIST_LEN = 200


def setup_inputs(seed: int = 0) -> dict:
    key = jax.random.key(seed)
    k1, k2 = jax.random.split(key)
    # 'Pre-trained' GloVe-style table materialized as the frozen embedding weight.
    table = jax.random.normal(k1, (VOCAB, EMBED_DIM), dtype=jnp.float32)
    index = jax.random.randint(k2, (BATCH, HIST_LEN), 0, VOCAB, dtype=jnp.int64)
    return {"table": table, "index": index}


def reference(table, index):
    # nn.Embedding.from_pretrained(weight)(index) == row gather from the table.
    index_vector = jnp.take(table, index, axis=0)
    return index_vector

if __name__ == "__main__":
    import jax
    _d = setup_inputs()
    print(jax.jit(kernel)(*tuple(_d.values())))

</pallas_src>

<mosaic_0001>
#map = affine_map<(d0, d1) -> (0, 0)>
#map1 = affine_map<(d0, d1) -> (0)>
module attributes {stable_mosaic.version = 14 : i64} {
  func.func @_gather_body(%arg0: i32, %arg1: i32, %arg2: memref<100000x64xf32, #tpu.memory_space<hbm>>, %arg3: memref<819200xi32, #tpu.memory_space<hbm>>, %arg4: memref<819200x64xf32, #tpu.memory_space<hbm>>, %arg5: memref<25600xi32, #tpu.memory_space<vmem>>, %arg6: memref<1024x64xf32, #tpu.memory_space<vmem>>, %arg7: memref<!tpu.dma_semaphore, #tpu.memory_space<semaphore_mem>>, %arg8: memref<!tpu.dma_semaphore, #tpu.memory_space<semaphore_mem>>, %arg9: memref<!tpu.dma_semaphore, #tpu.memory_space<semaphore_mem>>, %arg10: memref<!tpu.dma_semaphore, #tpu.memory_space<semaphore_mem>>, %arg11: memref<!tpu.dma_semaphore, #tpu.memory_space<semaphore_mem>>, %arg12: memref<!tpu.dma_semaphore, #tpu.memory_space<semaphore_mem>>, %arg13: memref<!tpu.dma_semaphore, #tpu.memory_space<semaphore_mem>>, %arg14: memref<!tpu.dma_semaphore, #tpu.memory_space<semaphore_mem>>, %arg15: memref<!tpu.dma_semaphore, #tpu.memory_space<semaphore_mem>>, %arg16: memref<!tpu.dma_semaphore, #tpu.memory_space<semaphore_mem>>, %arg17: memref<!tpu.dma_semaphore, #tpu.memory_space<semaphore_mem>>, %arg18: memref<!tpu.dma_semaphore, #tpu.memory_space<semaphore_mem>>, %arg19: memref<!tpu.dma_semaphore, #tpu.memory_space<semaphore_mem>>, %arg20: memref<!tpu.dma_semaphore, #tpu.memory_space<semaphore_mem>>, %arg21: memref<!tpu.dma_semaphore, #tpu.memory_space<semaphore_mem>>, %arg22: memref<!tpu.dma_semaphore, #tpu.memory_space<semaphore_mem>>) attributes {dimension_semantics = [#tpu.dimension_semantics<core_parallel>, #tpu.dimension_semantics<subcore_parallel>], iteration_bounds = array<i64: 2, 16>, scalar_prefetch = 0 : i64, scratch_operands = 18 : i64, tpu.core_type = #tpu.core_type<sc_vector_subcore>, window_params = [{transform_indices = #map}, {transform_indices = #map1}, {transform_indices = #map}]} {
    %mul3A = arith.constant 2 : i32
    %mul3A_0 = arith.muli %arg1, %mul3A : i32
    %add3A = arith.addi %mul3A_0, %arg0 : i32
    %mul3A_1 = arith.constant 25600 : i32
    %mul3A_2 = arith.muli %add3A, %mul3A_1 : i32
    "tpu.region"() ({
      %run_scoped3A = tpu.sem_alloc : memref<!tpu.dma_semaphore, #tpu.memory_space<semaphore_mem>>
      %dma_start3A_613 = tpu.memref_slice %arg3[%mul3A_2] : memref<819200xi32, #tpu.memory_space<hbm>> -> memref<25600xi32, #tpu.memory_space<hbm>>
      %dma_start3A_614 = tpu.memref_slice %arg3[%mul3A_2] : memref<819200xi32, #tpu.memory_space<hbm>> -> memref<25600xi32, #tpu.memory_space<hbm>>
      tpu.enqueue_dma source(%dma_start3A_614 : memref<25600xi32, #tpu.memory_space<hbm>>) target(%arg5 : memref<25600xi32, #tpu.memory_space<vmem>>) target_semaphore(%run_scoped3A : memref<!tpu.dma_semaphore, #tpu.memory_space<semaphore_mem>>)
      %dma_wait3A_615 = tpu.memref_slice %arg3[%mul3A_2] : memref<819200xi32, #tpu.memory_space<hbm>> -> memref<25600xi32, #tpu.memory_space<hbm>>
      %dma_wait3A_616 = tpu.memref_slice %arg3[%mul3A_2] : memref<819200xi32, #tpu.memory_space<hbm>> -> memref<25600xi32, #tpu.memory_space<hbm>>
      tpu.wait_dma2 semaphore(%run_scoped3A : memref<!tpu.dma_semaphore, #tpu.memory_space<semaphore_mem>>) src(%dma_wait3A_616 : memref<25600xi32, #tpu.memory_space<hbm>>) dst(%arg5 : memref<25600xi32, #tpu.memory_space<vmem>>)
      tpu.yield
    }) : () -> ()
    %dma_start3A = arith.constant 0 : i32
    %dma_start3A_3 = arith.constant 0 : i32
    %dma_start3A_4 = tpu.memref_slice %arg6[%dma_start3A, %dma_start3A_3] : memref<1024x64xf32, #tpu.memory_space<vmem>> -> memref<128x64xf32, #tpu.memory_space<vmem>>
    %dma_start3A_5 = arith.constant 0 : i32
    %dma_start3A_6 = tpu.memref_slice %arg5[%dma_start3A_5] : memref<25600xi32, #tpu.memory_space<vmem>> -> memref<128xi32, #tpu.memory_space<vmem>>
    %dma_start3A_7 = arith.constant 0 : i32
    %dma_start3A_8 = arith.constant 0 : i32
    %dma_start3A_9 = tpu.memref_slice %arg2[%dma_start3A_7, %dma_start3A_8] : memref<100000x64xf32, #tpu.memory_space<hbm>> -> memref<100000x64xf32, #tpu.memory_space<hbm>>
    tpu.enqueue_indirect_dma source(%dma_start3A_9 : memref<100000x64xf32, #tpu.memory_space<hbm>>) target(%dma_start3A_4 : memref<128x64xf32, #tpu.memory_space<vmem>>) offsets(%dma_start3A_6 : memref<128xi32, #tpu.memory_space<vmem>>) semaphore(%arg7 : memref<!tpu.dma_semaphore, #tpu.memory_space<semaphore_mem>>)
    %dma_start3A_10 = arith.constant 128 : i32
    %dma_start3A_11 = arith.constant 0 : i32
    %dma_start3A_12 = tpu.memref_slice %arg6[%dma_start3A_10, %dma_start3A_11] : memref<1024x64xf32, #tpu.memory_space<vmem>> -> memref<128x64xf32, #tpu.memory_space<vmem>>
    %dma_start3A_13 = arith.constant 128 : i32
    %dma_start3A_14 = tpu.memref_slice %arg5[%dma_start3A_13] : memref<25600xi32, #tpu.memory_space<vmem>> -> memref<128xi32, #tpu.memory_space<vmem>>
    %dma_start3A_15 = arith.constant 0 : i32
    %dma_start3A_16 = arith.constant 0 : i32
    %dma_start3A_17 = tpu.memref_slice %arg2[%dma_start3A_15, %dma_start3A_16] : memref<100000x64xf32, #tpu.memory_space<hbm>> -> memref<100000x64xf32, #tpu.memory_space<hbm>>
    tpu.enqueue_indirect_dma source(%dma_start3A_17 : memref<100000x64xf32, #tpu.memory_space<hbm>>) target(%dma_start3A_12 : memref<128x64xf32, #tpu.memory_space<vmem>>) offsets(%dma_start3A_14 : memref<128xi32, #tpu.memory_space<vmem>>) semaphore(%arg8 : memref<!tpu.dma_semaphore, #tpu.memory_space<semaphore_mem>>)
    %dma_start3A_18 = arith.constant 256 : i32
    %dma_start3A_19 = arith.constant 0 : i32
    %dma_start3A_20 = tpu.memref_slice %arg6[%dma_start3A_18, %dma_start3A_19] : memref<1024x64xf32, #tpu.memory_space<vmem>> -> memref<128x64xf32, #tpu.memory_space<vmem>>
    %dma_start3A_21 = arith.constant 256 : i32
    %dma_start3A_22 = tpu.memref_slice %arg5[%dma_start3A_21] : memref<25600xi32, #tpu.memory_space<vmem>> -> memref<128xi32, #tpu.memory_space<vmem>>
    %dma_start3A_23 = arith.constant 0 : i32
    %dma_start3A_24 = arith.constant 0 : i32
    %dma_start3A_25 = tpu.memref_slice %arg2[%dma_start3A_23, %dma_start3A_24] : memref<100000x64xf32, #tpu.memory_space<hbm>> -> memref<100000x64xf32, #tpu.memory_space<hbm>>
    tpu.enqueue_indirect_dma source(%dma_start3A_25 : memref<100000x64xf32, #tpu.memory_space<hbm>>) target(%dma_start3A_20 : memref<128x64xf32, #tpu.memory_space<vmem>>) offsets(%dma_start3A_22 : memref<128xi32, #tpu.memory_space<vmem>>) semaphore(%arg9 : memref<!tpu.dma_semaphore, #tpu.memory_space<semaphore_mem>>)
    %dma_start3A_26 = arith.constant 384 : i32
    %dma_start3A_27 = arith.constant 0 : i32
    %dma_start3A_28 = tpu.memref_slice %arg6[%dma_start3A_26, %dma_start3A_27] : memref<1024x64xf32, #tpu.memory_space<vmem>> -> memref<128x64xf32, #tpu.memory_space<vmem>>
    %dma_start3A_29 = arith.constant 384 : i32
    %dma_start3A_30 = tpu.memref_slice %arg5[%dma_start3A_29] : memref<25600xi32, #tpu.memory_space<vmem>> -> memref<128xi32, #tpu.memory_space<vmem>>
    %dma_start3A_31 = arith.constant 0 : i32
    %dma_start3A_32 = arith.constant 0 : i32
    %dma_start3A_33 = tpu.memref_slice %arg2[%dma_start3A_31, %dma_start3A_32] : memref<100000x64xf32, #tpu.memory_space<hbm>> -> memref<100000x64xf32, #tpu.memory_space<hbm>>
    tpu.enqueue_indirect_dma source(%dma_start3A_33 : memref<100000x64xf32, #tpu.memory_space<hbm>>) target(%dma_start3A_28 : memref<128x64xf32, #tpu.memory_space<vmem>>) offsets(%dma_start3A_30 : memref<128xi32, #tpu.memory_space<vmem>>) semaphore(%arg10 : memref<!tpu.dma_semaphore, #tpu.memory_space<semaphore_mem>>)
    %dma_wait3A = arith.constant 0 : i32
    %dma_wait3A_34 = arith.constant 0 : i32
    %dma_wait3A_35 = tpu.memref_slice %arg6[%dma_wait3A, %dma_wait3A_34] : memref<1024x64xf32, #tpu.memory_space<vmem>> -> memref<128x64xf32, #tpu.memory_space<vmem>>
    %dma_wait3A_36 = arith.constant 0 : i32
    %dma_wait3A_37 = tpu.memref_slice %arg5[%dma_wait3A_36] : memref<25600xi32, #tpu.memory_space<vmem>> -> memref<128xi32, #tpu.memory_space<vmem>>
    %dma_wait3A_38 = arith.constant 0 : i32
    %dma_wait3A_39 = arith.constant 0 : i32
    %dma_wait3A_40 = tpu.memref_slice %arg2[%dma_wait3A_38, %dma_wait3A_39] : memref<100000x64xf32, #tpu.memory_space<hbm>> -> memref<100000x64xf32, #tpu.memory_space<hbm>>
    tpu.wait_indirect_dma semaphore(%arg7 : memref<!tpu.dma_semaphore, #tpu.memory_space<semaphore_mem>>) src(%dma_wait3A_40 : memref<100000x64xf32, #tpu.memory_space<hbm>>) dst(%dma_wait3A_35 : memref<128x64xf32, #tpu.memory_space<vmem>>)
    %add3A_41 = arith.constant 0 : i32
    %add3A_42 = arith.addi %mul3A_2, %add3A_41 : i32
    %dma_start3A_43 = arith.constant 0 : i32
    %dma_start3A_44 = arith.constant 0 : i32
    %dma_start3A_45 = tpu.memref_slice %arg6[%dma_start3A_43, %dma_start3A_44] : memref<1024x64xf32, #tpu.memory_space<vmem>> -> memref<128x64xf32, #tpu.memory_space<vmem>>
    %dma_start3A_46 = arith.constant 0 : i32
    %dma_start3A_47 = tpu.memref_slice %arg4[%add3A_42, %dma_start3A_46] : memref<819200x64xf32, #tpu.memory_space<hbm>> -> memref<128x64xf32, #tpu.memory_space<hbm>>
    %dma_start3A_48 = arith.constant 0 : i32
    %dma_start3A_49 = tpu.memref_slice %arg4[%add3A_42, %dma_start3A_48] : memref<819200x64xf32, #tpu.memory_space<hbm>> -> memref<128x64xf32, #tpu.memory_space<hbm>>
    %dma_start3A_50 = arith.constant 0 : i32
    %dma_start3A_51 = arith.constant 0 : i32
    %dma_start3A_52 = tpu.memref_slice %arg6[%dma_start3A_50, %dma_start3A_51] : memref<1024x64xf32, #tpu.memory_space<vmem>> -> memref<128x64xf32, #tpu.memory_space<vmem>>
    tpu.enqueue_dma source(%dma_start3A_52 : memref<128x64xf32, #tpu.memory_space<vmem>>) target(%dma_start3A_49 : memref<128x64xf32, #tpu.memory_space<hbm>>) target_semaphore(%arg15 : memref<!tpu.dma_semaphore, #tpu.memory_space<semaphore_mem>>)
    %dma_start3A_53 = arith.constant 512 : i32
    %dma_start3A_54 = arith.constant 0 : i32
    %dma_start3A_55 = tpu.memref_slice %arg6[%dma_start3A_53, %dma_start3A_54] : memref<1024x64xf32, #tpu.memory_space<vmem>> -> memref<128x64xf32, #tpu.memory_space<vmem>>
    %dma_start3A_56 = arith.constant 512 : i32
    %dma_start3A_57 = tpu.memref_slice %arg5[%dma_start3A_56] : memref<25600xi32, #tpu.memory_space<vmem>> -> memref<128xi32, #tpu.memory_space<vmem>>
    %dma_start3A_58 = arith.constant 0 : i32
    %dma_start3A_59 = arith.constant 0 : i32
    %dma_start3A_60 = tpu.memref_slice %arg2[%dma_start3A_58, %dma_start3A_59] : memref<100000x64xf32, #tpu.memory_space<hbm>> -> memref<100000x64xf32, #tpu.memory_space<hbm>>
    tpu.enqueue_indirect_dma source(%dma_start3A_60 : memref<100000x64xf32, #tpu.memory_space<hbm>>) target(%dma_start3A_55 : memref<128x64xf32, #tpu.memory_space<vmem>>) offsets(%dma_start3A_57 : memref<128xi32, #tpu.memory_space<vmem>>) semaphore(%arg11 : memref<!tpu.dma_semaphore, #tpu.memory_space<semaphore_mem>>)
    %dma_wait3A_61 = arith.constant 128 : i32
    %dma_wait3A_62 = arith.constant 0 : i32
    %dma_wait3A_63 = tpu.memref_slice %arg6[%dma_wait3A_61, %dma_wait3A_62] : memref<1024x64xf32, #tpu.memory_space<vmem>> -> memref<128x64xf32, #tpu.memory_space<vmem>>
    %dma_wait3A_64 = arith.constant 0 : i32
    %dma_wait3A_65 = tpu.memref_slice %arg5[%dma_wait3A_64] : memref<25600xi32, #tpu.memory_space<vmem>> -> memref<128xi32, #tpu.memory_space<vmem>>
    %dma_wait3A_66 = arith.constant 0 : i32
    %dma_wait3A_67 = arith.constant 0 : i32
    %dma_wait3A_68 = tpu.memref_slice %arg2[%dma_wait3A_66, %dma_wait3A_67] : memref<100000x64xf32, #tpu.memory_space<hbm>> -> memref<100000x64xf32, #tpu.memory_space<hbm>>
    tpu.wait_indirect_dma semaphore(%arg8 : memref<!tpu.dma_semaphore, #tpu.memory_space<semaphore_mem>>) src(%dma_wait3A_68 : memref<100000x64xf32, #tpu.memory_space<hbm>>) dst(%dma_wait3A_63 : memref<128x64xf32, #tpu.memory_space<vmem>>)
    %add3A_69 = arith.constant 128 : i32
    %add3A_70 = arith.addi %mul3A_2, %add3A_69 : i32
    %dma_start3A_71 = arith.constant 128 : i32
    %dma_start3A_72 = arith.constant 0 : i32
    %dma_start3A_73 = tpu.memref_slice %arg6[%dma_start3A_71, %dma_start3A_72] : memref<1024x64xf32, #tpu.memory_space<vmem>> -> memref<128x64xf32, #tpu.memory_space<vmem>>
    %dma_start3A_74 = arith.constant 0 : i32
    %dma_start3A_75 = tpu.memref_slice %arg4[%add3A_70, %dma_start3A_74] : memref<819200x64xf32, #tpu.memory_space<hbm>> -> memref<128x64xf32, #tpu.memory_space<hbm>>
    %dma_start3A_76 = arith.constant 0 : i32
    %dma_start3A_77 = tpu.memref_slice %arg4[%add3A_70, %dma_start3A_76] : memref<819200x64xf32, #tpu.memory_space<hbm>> -> memref<128x64xf32, #tpu.memory_space<hbm>>
    %dma_start3A_78 = arith.constant 128 : i32
    %dma_start3A_79 = arith.constant 0 : i32
    %dma_start3A_80 = tpu.memref_slice %arg6[%dma_start3A_78, %dma_start3A_79] : memref<1024x64xf32, #tpu.memory_space<vmem>> -> memref<128x64xf32, #tpu.memory_space<vmem>>
    tpu.enqueue_dma source(%dma_start3A_80 : memref<128x64xf32, #tpu.memory_space<vmem>>) target(%dma_start3A_77 : memref<128x64xf32, #tpu.memory_space<hbm>>) target_semaphore(%arg16 : memref<!tpu.dma_semaphore, #tpu.memory_space<semaphore_mem>>)
    %dma_start3A_81 = arith.constant 640 : i32
    %dma_start3A_82 = arith.constant 0 : i32
    %dma_start3A_83 = tpu.memref_slice %arg6[%dma_start3A_81, %dma_start3A_82] : memref<1024x64xf32, #tpu.memory_space<vmem>> -> memref<128x64xf32, #tpu.memory_space<vmem>>
    %dma_start3A_84 = arith.constant 640 : i32
    %dma_start3A_85 = tpu.memref_slice %arg5[%dma_start3A_84] : memref<25600xi32, #tpu.memory_space<vmem>> -> memref<128xi32, #tpu.memory_space<vmem>>
    %dma_start3A_86 = arith.constant 0 : i32
    %dma_start3A_87 = arith.constant 0 : i32
    %dma_start3A_88 = tpu.memref_slice %arg2[%dma_start3A_86, %dma_start3A_87] : memref<100000x64xf32, #tpu.memory_space<hbm>> -> memref<100000x64xf32, #tpu.memory_space<hbm>>
    tpu.enqueue_indirect_dma source(%dma_start3A_88 : memref<100000x64xf32, #tpu.memory_space<hbm>>) target(%dma_start3A_83 : memref<128x64xf32, #tpu.memory_space<vmem>>) offsets(%dma_start3A_85 : memref<128xi32, #tpu.memory_space<vmem>>) semaphore(%arg12 : memref<!tpu.dma_semaphore, #tpu.memory_space<semaphore_mem>>)
    %dma_wait3A_89 = arith.constant 256 : i32
    %dma_wait3A_90 = arith.constant 0 : i32
    %dma_wait3A_91 = tpu.memref_slice %arg6[%dma_wait3A_89, %dma_wait3A_90] : memref<1024x64xf32, #tpu.memory_space<vmem>> -> memref<128x64xf32, #tpu.memory_space<vmem>>
    %dma_wait3A_92 = arith.constant 0 : i32
    %dma_wait3A_93 = tpu.memref_slice %arg5[%dma_wait3A_92] : memref<25600xi32, #tpu.memory_space<vmem>> -> memref<128xi32, #tpu.memory_space<vmem>>
    %dma_wait3A_94 = arith.constant 0 : i32
    %dma_wait3A_95 = arith.constant 0 : i32
    %dma_wait3A_96 = tpu.memref_slice %arg2[%dma_wait3A_94, %dma_wait3A_95] : memref<100000x64xf32, #tpu.memory_space<hbm>> -> memref<100000x64xf32, #tpu.memory_space<hbm>>
    tpu.wait_indirect_dma semaphore(%arg9 : memref<!tpu.dma_semaphore, #tpu.memory_space<semaphore_mem>>) src(%dma_wait3A_96 : memref<100000x64xf32, #tpu.memory_space<hbm>>) dst(%dma_wait3A_91 : memref<128x64xf32, #tpu.memory_space<vmem>>)
    %add3A_97 = arith.constant 256 : i32
    %add3A_98 = arith.addi %mul3A_2, %add3A_97 : i32
    %dma_start3A_99 = arith.constant 256 : i32
    %dma_start3A_100 = arith.constant 0 : i32
    %dma_start3A_101 = tpu.memref_slice %arg6[%dma_start3A_99, %dma_start3A_100] : memref<1024x64xf32, #tpu.memory_space<vmem>> -> memref<128x64xf32, #tpu.memory_space<vmem>>
    %dma_start3A_102 = arith.constant 0 : i32
    %dma_start3A_103 = tpu.memref_slice %arg4[%add3A_98, %dma_start3A_102] : memref<819200x64xf32, #tpu.memory_space<hbm>> -> memref<128x64xf32, #tpu.memory_space<hbm>>
    %dma_start3A_104 = arith.constant 0 : i32
    %dma_start3A_105 = tpu.memref_slice %arg4[%add3A_98, %dma_start3A_104] : memref<819200x64xf32, #tpu.memory_space<hbm>> -> memref<128x64xf32, #tpu.memory_space<hbm>>
    %dma_start3A_106 = arith.constant 256 : i32
    %dma_start3A_107 = arith.constant 0 : i32
    %dma_start3A_108 = tpu.memref_slice %arg6[%dma_start3A_106, %dma_start3A_107] : memref<1024x64xf32, #tpu.memory_space<vmem>> -> memref<128x64xf32, #tpu.memory_space<vmem>>
    tpu.enqueue_dma source(%dma_start3A_108 : memref<128x64xf32, #tpu.memory_space<vmem>>) target(%dma_start3A_105 : memref<128x64xf32, #tpu.memory_space<hbm>>) target_semaphore(%arg17 : memref<!tpu.dma_semaphore, #tpu.memory_space<semaphore_mem>>)
    %dma_start3A_109 = arith.constant 768 : i32
    %dma_start3A_110 = arith.constant 0 : i32
    %dma_start3A_111 = tpu.memref_slice %arg6[%dma_start3A_109, %dma_start3A_110] : memref<1024x64xf32, #tpu.memory_space<vmem>> -> memref<128x64xf32, #tpu.memory_space<vmem>>
    %dma_start3A_112 = arith.constant 768 : i32
    %dma_start3A_113 = tpu.memref_slice %arg5[%dma_start3A_112] : memref<25600xi32, #tpu.memory_space<vmem>> -> memref<128xi32, #tpu.memory_space<vmem>>
    %dma_start3A_114 = arith.constant 0 : i32
    %dma_start3A_115 = arith.constant 0 : i32
    %dma_start3A_116 = tpu.memref_slice %arg2[%dma_start3A_114, %dma_start3A_115] : memref<100000x64xf32, #tpu.memory_space<hbm>> -> memref<100000x64xf32, #tpu.memory_space<hbm>>
    tpu.enqueue_indirect_dma source(%dma_start3A_116 : memref<100000x64xf32, #tpu.memory_space<hbm>>) target(%dma_start3A_111 : memref<128x64xf32, #tpu.memory_space<vmem>>) offsets(%dma_start3A_113 : memref<128xi32, #tpu.memory_space<vmem>>) semaphore(%arg13 : memref<!tpu.dma_semaphore, #tpu.memory_space<semaphore_mem>>)
    %dma_wait3A_117 = arith.constant 384 : i32
    %dma_wait3A_118 = arith.constant 0 : i32
    %dma_wait3A_119 = tpu.memref_slice %arg6[%dma_wait3A_117, %dma_wait3A_118] : memref<1024x64xf32, #tpu.memory_space<vmem>> -> memref<128x64xf32, #tpu.memory_space<vmem>>
    %dma_wait3A_120 = arith.constant 0 : i32
    %dma_wait3A_121 = tpu.memref_slice %arg5[%dma_wait3A_120] : memref<25600xi32, #tpu.memory_space<vmem>> -> memref<128xi32, #tpu.memory_space<vmem>>
    %dma_wait3A_122 = arith.constant 0 : i32
    %dma_wait3A_123 = arith.constant 0 : i32
    %dma_wait3A_124 = tpu.memref_slice %arg2[%dma_wait3A_122, %dma_wait3A_123] : memref<100000x64xf32, #tpu.memory_space<hbm>> -> memref<100000x64xf32, #tpu.memory_space<hbm>>
    tpu.wait_indirect_dma semaphore(%arg10 : memref<!tpu.dma_semaphore, #tpu.memory_space<semaphore_mem>>) src(%dma_wait3A_124 : memref<100000x64xf32, #tpu.memory_space<hbm>>) dst(%dma_wait3A_119 : memref<128x64xf32, #tpu.memory_space<vmem>>)
    %add3A_125 = arith.constant 384 : i32
    %add3A_126 = arith.addi %mul3A_2, %add3A_125 : i32
    %dma_start3A_127 = arith.constant 384 : i32
    %dma_start3A_128 = arith.constant 0 : i32
    %dma_start3A_129 = tpu.memref_slice %arg6[%dma_start3A_127, %dma_start3A_128] : memref<1024x64xf32, #tpu.memory_space<vmem>> -> memref<128x64xf32, #tpu.memory_space<vmem>>
    %dma_start3A_130 = arith.constant 0 : i32
    %dma_start3A_131 = tpu.memref_slice %arg4[%add3A_126, %dma_start3A_130] : memref<819200x64xf32, #tpu.memory_space<hbm>> -> memref<128x64xf32, #tpu.memory_space<hbm>>
    %dma_start3A_132 = arith.constant 0 : i32
    %dma_start3A_133 = tpu.memref_slice %arg4[%add3A_126, %dma_start3A_132] : memref<819200x64xf32, #tpu.memory_space<hbm>> -> memref<128x64xf32, #tpu.memory_space<hbm>>
    %dma_start3A_134 = arith.constant 384 : i32
    %dma_start3A_135 = arith.constant 0 : i32
    %dma_start3A_136 = tpu.memref_slice %arg6[%dma_start3A_134, %dma_start3A_135] : memref<1024x64xf32, #tpu.memory_space<vmem>> -> memref<128x64xf32, #tpu.memory_space<vmem>>
    tpu.enqueue_dma source(%dma_start3A_136 : memref<128x64xf32, #tpu.memory_space<vmem>>) target(%dma_start3A_133 : memref<128x64xf32, #tpu.memory_space<hbm>>) target_semaphore(%arg18 : memref<!tpu.dma_semaphore, #tpu.memory_space<semaphore_mem>>)
    %dma_start3A_137 = arith.constant 896 : i32
    %dma_start3A_138 = arith.constant 0 : i32
    %dma_start3A_139 = tpu.memref_slice %arg6[%dma_start3A_137, %dma_start3A_138] : memref<1024x64xf32, #tpu.memory_space<vmem>> -> memref<128x64xf32, #tpu.memory_space<vmem>>
    %dma_start3A_140 = arith.constant 896 : i32
    %dma_start3A_141 = tpu.memref_slice %arg5[%dma_start3A_140] : memref<25600xi32, #tpu.memory_space<vmem>> -> memref<128xi32, #tpu.memory_space<vmem>>
    %dma_start3A_142 = arith.constant 0 : i32
    %dma_start3A_143 = arith.constant 0 : i32
    %dma_start3A_144 = tpu.memref_slice %arg2[%dma_start3A_142, %dma_start3A_143] : memref<100000x64xf32, #tpu.memory_space<hbm>> -> memref<100000x64xf32, #tpu.memory_space<hbm>>
    tpu.enqueue_indirect_dma source(%dma_start3A_144 : memref<100000x64xf32, #tpu.memory_space<hbm>>) target(%dma_start3A_139 : memref<128x64xf32, #tpu.memory_space<vmem>>) offsets(%dma_start3A_141 : memref<128xi32, #tpu.memory_space<vmem>>) semaphore(%arg14 : memref<!tpu.dma_semaphore, #tpu.memory_space<semaphore_mem>>)
    %dma_wait3A_145 = arith.constant 512 : i32
    %dma_wait3A_146 = arith.constant 0 : i32
    %dma_wait3A_147 = tpu.memref_slice %arg6[%dma_wait3A_145, %dma_wait3A_146] : memref<1024x64xf32, #tpu.memory_space<vmem>> -> memref<128x64xf32, #tpu.memory_space<vmem>>
    %dma_wait3A_148 = arith.constant 0 : i32
    %dma_wait3A_149 = tpu.memref_slice %arg5[%dma_wait3A_148] : memref<25600xi32, #tpu.memory_space<vmem>> -> memref<128xi32, #tpu.memory_space<vmem>>
    %dma_wait3A_150 = arith.constant 0 : i32
    %dma_wait3A_151 = arith.constant 0 : i32
    %dma_wait3A_152 = tpu.memref_slice %arg2[%dma_wait3A_150, %dma_wait3A_151] : memref<100000x64xf32, #tpu.memory_space<hbm>> -> memref<100000x64xf32, #tpu.memory_space<hbm>>
    tpu.wait_indirect_dma semaphore(%arg11 : memref<!tpu.dma_semaphore, #tpu.memory_space<semaphore_mem>>) src(%dma_wait3A_152 : memref<100000x64xf32, #tpu.memory_space<hbm>>) dst(%dma_wait3A_147 : memref<128x64xf32, #tpu.memory_space<vmem>>)
    %add3A_153 = arith.constant 512 : i32
    %add3A_154 = arith.addi %mul3A_2, %add3A_153 : i32
    %dma_start3A_155 = arith.constant 512 : i32
    %dma_start3A_156 = arith.constant 0 : i32
    %dma_start3A_157 = tpu.memref_slice %arg6[%dma_start3A_155, %dma_start3A_156] : memref<1024x64xf32, #tpu.memory_space<vmem>> -> memref<128x64xf32, #tpu.memory_space<vmem>>
    %dma_start3A_158 = arith.constant 0 : i32
    %dma_start3A_159 = tpu.memref_slice %arg4[%add3A_154, %dma_start3A_158] : memref<819200x64xf32, #tpu.memory_space<hbm>> -> memref<128x64xf32, #tpu.memory_space<hbm>>
    %dma_start3A_160 = arith.constant 0 : i32
    %dma_start3A_161 = tpu.memref_slice %arg4[%add3A_154, %dma_start3A_160] : memref<819200x64xf32, #tpu.memory_space<hbm>> -> memref<128x64xf32, #tpu.memory_space<hbm>>
    %dma_start3A_162 = arith.constant 512 : i32
    %dma_start3A_163 = arith.constant 0 : i32
    %dma_start3A_164 = tpu.memref_slice %arg6[%dma_start3A_162, %dma_start3A_163] : memref<1024x64xf32, #tpu.memory_space<vmem>> -> memref<128x64xf32, #tpu.memory_space<vmem>>
    tpu.enqueue_dma source(%dma_start3A_164 : memref<128x64xf32, #tpu.memory_space<vmem>>) target(%dma_start3A_161 : memref<128x64xf32, #tpu.memory_space<hbm>>) target_semaphore(%arg19 : memref<!tpu.dma_semaphore, #tpu.memory_space<semaphore_mem>>)
    %dma_wait3A_165 = arith.constant 0 : i32
    %dma_wait3A_166 = arith.constant 0 : i32
    %dma_wait3A_167 = tpu.memref_slice %arg6[%dma_wait3A_165, %dma_wait3A_166] : memref<1024x64xf32, #tpu.memory_space<vmem>> -> memref<128x64xf32, #tpu.memory_space<vmem>>
    %dma_wait3A_168 = arith.constant 0 : i32
    %dma_wait3A_169 = tpu.memref_slice %arg4[%mul3A_2, %dma_wait3A_168] : memref<819200x64xf32, #tpu.memory_space<hbm>> -> memref<128x64xf32, #tpu.memory_space<hbm>>
    %dma_wait3A_170 = arith.constant 0 : i32
    %dma_wait3A_171 = tpu.memref_slice %arg4[%mul3A_2, %dma_wait3A_170] : memref<819200x64xf32, #tpu.memory_space<hbm>> -> memref<128x64xf32, #tpu.memory_space<hbm>>
    %dma_wait3A_172 = arith.constant 0 : i32
    %dma_wait3A_173 = arith.constant 0 : i32
    %dma_wait3A_174 = tpu.memref_slice %arg6[%dma_wait3A_172, %dma_wait3A_173] : memref<1024x64xf32, #tpu.memory_space<vmem>> -> memref<128x64xf32, #tpu.memory_space<vmem>>
    tpu.wait_dma2 semaphore(%arg15 : memref<!tpu.dma_semaphore, #tpu.memory_space<semaphore_mem>>) src(%dma_wait3A_174 : memref<128x64xf32, #tpu.memory_space<vmem>>) dst(%dma_wait3A_171 : memref<128x64xf32, #tpu.memory_space<hbm>>)
    %dma_start3A_175 = arith.constant 0 : i32
    %dma_start3A_176 = arith.constant 0 : i32
    %dma_start3A_177 = tpu.memref_slice %arg6[%dma_start3A_175, %dma_start3A_176] : memref<1024x64xf32, #tpu.memory_space<vmem>> -> memref<128x64xf32, #tpu.memory_space<vmem>>
    %dma_start3A_178 = arith.constant 1024 : i32
    %dma_start3A_179 = tpu.memref_slice %arg5[%dma_start3A_178] : memref<25600xi32, #tpu.memory_space<vmem>> -> memref<128xi32, #tpu.memory_space<vmem>>
    %dma_start3A_180 = arith.constant 0 : i32
    %dma_start3A_181 = arith.constant 0 : i32
    %dma_start3A_182 = tpu.memref_slice %arg2[%dma_start3A_180, %dma_start3A_181] : memref<100000x64xf32, #tpu.memory_space<hbm>> -> memref<100000x64xf32, #tpu.memory_space<hbm>>
    tpu.enqueue_indirect_dma source(%dma_start3A_182 : memref<100000x64xf32, #tpu.memory_space<hbm>>) target(%dma_start3A_177 : memref<128x64xf32, #tpu.memory_space<vmem>>) offsets(%dma_start3A_179 : memref<128xi32, #tpu.memory_space<vmem>>) semaphore(%arg7 : memref<!tpu.dma_semaphore, #tpu.memory_space<semaphore_mem>>)
    %dma_wait3A_183 = arith.constant 640 : i32
    %dma_wait3A_184 = arith.constant 0 : i32
    %dma_wait3A_185 = tpu.memref_slice %arg6[%dma_wait3A_183, %dma_wait3A_184] : memref<1024x64xf32, #tpu.memory_space<vmem>> -> memref<128x64xf32, #tpu.memory_space<vmem>>
    %dma_wait3A_186 = arith.constant 0 : i32
    %dma_wait3A_187 = tpu.memref_slice %arg5[%dma_wait3A_186] : memref<25600xi32, #tpu.memory_space<vmem>> -> memref<128xi32, #tpu.memory_space<vmem>>
    %dma_wait3A_188 = arith.constant 0 : i32
    %dma_wait3A_189 = arith.constant 0 : i32
    %dma_wait3A_190 = tpu.memref_slice %arg2[%dma_wait3A_188, %dma_wait3A_189] : memref<100000x64xf32, #tpu.memory_space<hbm>> -> memref<100000x64xf32, #tpu.memory_space<hbm>>
    tpu.wait_indirect_dma semaphore(%arg12 : memref<!tpu.dma_semaphore, #tpu.memory_space<semaphore_mem>>) src(%dma_wait3A_190 : memref<100000x64xf32, #tpu.memory_space<hbm>>) dst(%dma_wait3A_185 : memref<128x64xf32, #tpu.memory_space<vmem>>)
    %add3A_191 = arith.constant 640 : i32
    %add3A_192 = arith.addi %mul3A_2, %add3A_191 : i32
    %dma_start3A_193 = arith.constant 640 : i32
    %dma_start3A_194 = arith.constant 0 : i32
    %dma_start3A_195 = tpu.memref_slice %arg6[%dma_start3A_193, %dma_start3A_194] : memref<1024x64xf32, #tpu.memory_space<vmem>> -> memref<128x64xf32, #tpu.memory_space<vmem>>
    %dma_start3A_196 = arith.constant 0 : i32
    %dma_start3A_197 = tpu.memref_slice %arg4[%add3A_192, %dma_start3A_196] : memref<819200x64xf32, #tpu.memory_space<hbm>> -> memref<128x64xf32, #tpu.memory_space<hbm>>
    %dma_start3A_198 = arith.constant 0 : i32
    %dma_start3A_199 = tpu.memref_slice %arg4[%add3A_192, %dma_start3A_198] : memref<819200x64xf32, #tpu.memory_space<hbm>> -> memref<128x64xf32, #tpu.memory_space<hbm>>
    %dma_start3A_200 = arith.constant 640 : i32
    %dma_start3A_201 = arith.constant 0 : i32
    %dma_start3A_202 = tpu.memref_slice %arg6[%dma_start3A_200, %dma_start3A_201] : memref<1024x64xf32, #tpu.memory_space<vmem>> -> memref<128x64xf32, #tpu.memory_space<vmem>>
    tpu.enqueue_dma source(%dma_start3A_202 : memref<128x64xf32, #tpu.memory_space<vmem>>) target(%dma_start3A_199 : memref<128x64xf32, #tpu.memory_space<hbm>>) target_semaphore(%arg20 : memref<!tpu.dma_semaphore, #tpu.memory_space<semaphore_mem>>)
    %dma_wait3A_203 = arith.constant 128 : i32
    %dma_wait3A_204 = arith.constant 0 : i32
    %dma_wait3A_205 = tpu.memref_slice %arg6[%dma_wait3A_203, %dma_wait3A_204] : memref<1024x64xf32, #tpu.memory_space<vmem>> -> memref<128x64xf32, #tpu.memory_space<vmem>>
    %dma_wait3A_206 = arith.constant 0 : i32
    %dma_wait3A_207 = tpu.memref_slice %arg4[%mul3A_2, %dma_wait3A_206] : memref<819200x64xf32, #tpu.memory_space<hbm>> -> memref<128x64xf32, #tpu.memory_space<hbm>>
    %dma_wait3A_208 = arith.constant 0 : i32
    %dma_wait3A_209 = tpu.memref_slice %arg4[%mul3A_2, %dma_wait3A_208] : memref<819200x64xf32, #tpu.memory_space<hbm>> -> memref<128x64xf32, #tpu.memory_space<hbm>>
    %dma_wait3A_210 = arith.constant 128 : i32
    %dma_wait3A_211 = arith.constant 0 : i32
    %dma_wait3A_212 = tpu.memref_slice %arg6[%dma_wait3A_210, %dma_wait3A_211] : memref<1024x64xf32, #tpu.memory_space<vmem>> -> memref<128x64xf32, #tpu.memory_space<vmem>>
    tpu.wait_dma2 semaphore(%arg16 : memref<!tpu.dma_semaphore, #tpu.memory_space<semaphore_mem>>) src(%dma_wait3A_212 : memref<128x64xf32, #tpu.memory_space<vmem>>) dst(%dma_wait3A_209 : memref<128x64xf32, #tpu.memory_space<hbm>>)
    %dma_start3A_213 = arith.constant 128 : i32
    %dma_start3A_214 = arith.constant 0 : i32
    %dma_start3A_215 = tpu.memref_slice %arg6[%dma_start3A_213, %dma_start3A_214] : memref<1024x64xf32, #tpu.memory_space<vmem>> -> memref<128x64xf32, #tpu.memory_space<vmem>>
    %dma_start3A_216 = arith.constant 1152 : i32
    %dma_start3A_217 = tpu.memref_slice %arg5[%dma_start3A_216] : memref<25600xi32, #tpu.memory_space<vmem>> -> memref<128xi32, #tpu.memory_space<vmem>>
    %dma_start3A_218 = arith.constant 0 : i32
    %dma_start3A_219 = arith.constant 0 : i32
    %dma_start3A_220 = tpu.memref_slice %arg2[%dma_start3A_218, %dma_start3A_219] : memref<100000x64xf32, #tpu.memory_space<hbm>> -> memref<100000x64xf32, #tpu.memory_space<hbm>>
    tpu.enqueue_indirect_dma source(%dma_start3A_220 : memref<100000x64xf32, #tpu.memory_space<hbm>>) target(%dma_start3A_215 : memref<128x64xf32, #tpu.memory_space<vmem>>) offsets(%dma_start3A_217 : memref<128xi32, #tpu.memory_space<vmem>>) semaphore(%arg8 : memref<!tpu.dma_semaphore, #tpu.memory_space<semaphore_mem>>)
    %dma_wait3A_221 = arith.constant 768 : i32
    %dma_wait3A_222 = arith.constant 0 : i32
    %dma_wait3A_223 = tpu.memref_slice %arg6[%dma_wait3A_221, %dma_wait3A_222] : memref<1024x64xf32, #tpu.memory_space<vmem>> -> memref<128x64xf32, #tpu.memory_space<vmem>>
    %dma_wait3A_224 = arith.constant 0 : i32
    %dma_wait3A_225 = tpu.memref_slice %arg5[%dma_wait3A_224] : memref<25600xi32, #tpu.memory_space<vmem>> -> memref<128xi32, #tpu.memory_space<vmem>>
    %dma_wait3A_226 = arith.constant 0 : i32
    %dma_wait3A_227 = arith.constant 0 : i32
    %dma_wait3A_228 = tpu.memref_slice %arg2[%dma_wait3A_226, %dma_wait3A_227] : memref<100000x64xf32, #tpu.memory_space<hbm>> -> memref<100000x64xf32, #tpu.memory_space<hbm>>
    tpu.wait_indirect_dma semaphore(%arg13 : memref<!tpu.dma_semaphore, #tpu.memory_space<semaphore_mem>>) src(%dma_wait3A_228 : memref<100000x64xf32, #tpu.memory_space<hbm>>) dst(%dma_wait3A_223 : memref<128x64xf32, #tpu.memory_space<vmem>>)
    %add3A_229 = arith.constant 768 : i32
    %add3A_230 = arith.addi %mul3A_2, %add3A_229 : i32
    %dma_start3A_231 = arith.constant 768 : i32
    %dma_start3A_232 = arith.constant 0 : i32
    %dma_start3A_233 = tpu.memref_slice %arg6[%dma_start3A_231, %dma_start3A_232] : memref<1024x64xf32, #tpu.memory_space<vmem>> -> memref<128x64xf32, #tpu.memory_space<vmem>>
    %dma_start3A_234 = arith.constant 0 : i32
    %dma_start3A_235 = tpu.memref_slice %arg4[%add3A_230, %dma_start3A_234] : memref<819200x64xf32, #tpu.memory_space<hbm>> -> memref<128x64xf32, #tpu.memory_space<hbm>>
    %dma_start3A_236 = arith.constant 0 : i32
    %dma_start3A_237 = tpu.memref_slice %arg4[%add3A_230, %dma_start3A_236] : memref<819200x64xf32, #tpu.memory_space<hbm>> -> memref<128x64xf32, #tpu.memory_space<hbm>>
    %dma_start3A_238 = arith.constant 768 : i32
    %dma_start3A_239 = arith.constant 0 : i32
    %dma_start3A_240 = tpu.memref_slice %arg6[%dma_start3A_238, %dma_start3A_239] : memref<1024x64xf32, #tpu.memory_space<vmem>> -> memref<128x64xf32, #tpu.memory_space<vmem>>
    tpu.enqueue_dma source(%dma_start3A_240 : memref<128x64xf32, #tpu.memory_space<vmem>>) target(%dma_start3A_237 : memref<128x64xf32, #tpu.memory_space<hbm>>) target_semaphore(%arg21 : memref<!tpu.dma_semaphore, #tpu.memory_space<semaphore_mem>>)
    %dma_wait3A_241 = arith.constant 256 : i32
    %dma_wait3A_242 = arith.constant 0 : i32
    %dma_wait3A_243 = tpu.memref_slice %arg6[%dma_wait3A_241, %dma_wait3A_242] : memref<1024x64xf32, #tpu.memory_space<vmem>> -> memref<128x64xf32, #tpu.memory_space<vmem>>
    %dma_wait3A_244 = arith.constant 0 : i32
    %dma_wait3A_245 = tpu.memref_slice %arg4[%mul3A_2, %dma_wait3A_244] : memref<819200x64xf32, #tpu.memory_space<hbm>> -> memref<128x64xf32, #tpu.memory_space<hbm>>
    %dma_wait3A_246 = arith.constant 0 : i32
    %dma_wait3A_247 = tpu.memref_slice %arg4[%mul3A_2, %dma_wait3A_246] : memref<819200x64xf32, #tpu.memory_space<hbm>> -> memref<128x64xf32, #tpu.memory_space<hbm>>
    %dma_wait3A_248 = arith.constant 256 : i32
    %dma_wait3A_249 = arith.constant 0 : i32
    %dma_wait3A_250 = tpu.memref_slice %arg6[%dma_wait3A_248, %dma_wait3A_249] : memref<1024x64xf32, #tpu.memory_space<vmem>> -> memref<128x64xf32, #tpu.memory_space<vmem>>
    tpu.wait_dma2 semaphore(%arg17 : memref<!tpu.dma_semaphore, #tpu.memory_space<semaphore_mem>>) src(%dma_wait3A_250 : memref<128x64xf32, #tpu.memory_space<vmem>>) dst(%dma_wait3A_247 : memref<128x64xf32, #tpu.memory_space<hbm>>)
    %dma_start3A_251 = arith.constant 256 : i32
    %dma_start3A_252 = arith.constant 0 : i32
    %dma_start3A_253 = tpu.memref_slice %arg6[%dma_start3A_251, %dma_start3A_252] : memref<1024x64xf32, #tpu.memory_space<vmem>> -> memref<128x64xf32, #tpu.memory_space<vmem>>
    %dma_start3A_254 = arith.constant 1280 : i32
    %dma_start3A_255 = tpu.memref_slice %arg5[%dma_start3A_254] : memref<25600xi32, #tpu.memory_space<vmem>> -> memref<128xi32, #tpu.memory_space<vmem>>
    %dma_start3A_256 = arith.constant 0 : i32
    %dma_start3A_257 = arith.constant 0 : i32
    %dma_start3A_258 = tpu.memref_slice %arg2[%dma_start3A_256, %dma_start3A_257] : memref<100000x64xf32, #tpu.memory_space<hbm>> -> memref<100000x64xf32, #tpu.memory_space<hbm>>
    tpu.enqueue_indirect_dma source(%dma_start3A_258 : memref<100000x64xf32, #tpu.memory_space<hbm>>) target(%dma_start3A_253 : memref<128x64xf32, #tpu.memory_space<vmem>>) offsets(%dma_start3A_255 : memref<128xi32, #tpu.memory_space<vmem>>) semaphore(%arg9 : memref<!tpu.dma_semaphore, #tpu.memory_space<semaphore_mem>>)
    %dma_wait3A_259 = arith.constant 896 : i32
    %dma_wait3A_260 = arith.constant 0 : i32
    %dma_wait3A_261 = tpu.memref_slice %arg6[%dma_wait3A_259, %dma_wait3A_260] : memref<1024x64xf32, #tpu.memory_space<vmem>> -> memref<128x64xf32, #tpu.memory_space<vmem>>
    %dma_wait3A_262 = arith.constant 0 : i32
    %dma_wait3A_263 = tpu.memref_slice %arg5[%dma_wait3A_262] : memref<25600xi32, #tpu.memory_space<vmem>> -> memref<128xi32, #tpu.memory_space<vmem>>
    %dma_wait3A_264 = arith.constant 0 : i32
    %dma_wait3A_265 = arith.constant 0 : i32
    %dma_wait3A_266 = tpu.memref_slice %arg2[%dma_wait3A_264, %dma_wait3A_265] : memref<100000x64xf32, #tpu.memory_space<hbm>> -> memref<100000x64xf32, #tpu.memory_space<hbm>>
    tpu.wait_indirect_dma semaphore(%arg14 : memref<!tpu.dma_semaphore, #tpu.memory_space<semaphore_mem>>) src(%dma_wait3A_266 : memref<100000x64xf32, #tpu.memory_space<hbm>>) dst(%dma_wait3A_261 : memref<128x64xf32, #tpu.memory_space<vmem>>)
    %add3A_267 = arith.constant 896 : i32
    %add3A_268 = arith.addi %mul3A_2, %add3A_267 : i32
    %dma_start3A_269 = arith.constant 896 : i32
    %dma_start3A_270 = arith.constant 0 : i32
    %dma_start3A_271 = tpu.memref_slice %arg6[%dma_start3A_269, %dma_start3A_270] : memref<1024x64xf32, #tpu.memory_space<vmem>> -> memref<128x64xf32, #tpu.memory_space<vmem>>
    %dma_start3A_272 = arith.constant 0 : i32
    %dma_start3A_273 = tpu.memref_slice %arg4[%add3A_268, %dma_start3A_272] : memref<819200x64xf32, #tpu.memory_space<hbm>> -> memref<128x64xf32, #tpu.memory_space<hbm>>
    %dma_start3A_274 = arith.constant 0 : i32
    %dma_start3A_275 = tpu.memref_slice %arg4[%add3A_268, %dma_start3A_274] : memref<819200x64xf32, #tpu.memory_space<hbm>> -> memref<128x64xf32, #tpu.memory_space<hbm>>
    %dma_start3A_276 = arith.constant 896 : i32
    %dma_start3A_277 = arith.constant 0 : i32
    %dma_start3A_278 = tpu.memref_slice %arg6[%dma_start3A_276, %dma_start3A_277] : memref<1024x64xf32, #tpu.memory_space<vmem>> -> memref<128x64xf32, #tpu.memory_space<vmem>>
    tpu.enqueue_dma source(%dma_start3A_278 : memref<128x64xf32, #tpu.memory_space<vmem>>) target(%dma_start3A_275 : memref<128x64xf32, #tpu.memory_space<hbm>>) target_semaphore(%arg22 : memref<!tpu.dma_semaphore, #tpu.memory_space<semaphore_mem>>)
    %dma_wait3A_279 = arith.constant 384 : i32
    %dma_wait3A_280 = arith.constant 0 : i32
    %dma_wait3A_281 = tpu.memref_slice %arg6[%dma_wait3A_279, %dma_wait3A_280] : memref<1024x64xf32, #tpu.memory_space<vmem>> -> memref<128x64xf32, #tpu.memory_space<vmem>>
    %dma_wait3A_282 = arith.constant 0 : i32
    %dma_wait3A_283 = tpu.memref_slice %arg4[%mul3A_2, %dma_wait3A_282] : memref<819200x64xf32, #tpu.memory_space<hbm>> -> memref<128x64xf32, #tpu.memory_space<hbm>>
    %dma_wait3A_284 = arith.constant 0 : i32
    %dma_wait3A_285 = tpu.memref_slice %arg4[%mul3A_2, %dma_wait3A_284] : memref<819200x64xf32, #tpu.memory_space<hbm>> -> memref<128x64xf32, #tpu.memory_space<hbm>>
    %dma_wait3A_286 = arith.constant 384 : i32
    %dma_wait3A_287 = arith.constant 0 : i32
    %dma_wait3A_288 = tpu.memref_slice %arg6[%dma_wait3A_286, %dma_wait3A_287] : memref<1024x64xf32, #tpu.memory_space<vmem>> -> memref<128x64xf32, #tpu.memory_space<vmem>>
    tpu.wait_dma2 semaphore(%arg18 : memref<!tpu.dma_semaphore, #tpu.memory_space<semaphore_mem>>) src(%dma_wait3A_288 : memref<128x64xf32, #tpu.memory_space<vmem>>) dst(%dma_wait3A_285 : memref<128x64xf32, #tpu.memory_space<hbm>>)
    %dma_start3A_289 = arith.constant 384 : i32
    %dma_start3A_290 = arith.constant 0 : i32
    %dma_start3A_291 = tpu.memref_slice %arg6[%dma_start3A_289, %dma_start3A_290] : memref<1024x64xf32, #tpu.memory_space<vmem>> -> memref<128x64xf32, #tpu.memory_space<vmem>>
    %dma_start3A_292 = arith.constant 1408 : i32
    %dma_start3A_293 = tpu.memref_slice %arg5[%dma_start3A_292] : memref<25600xi32, #tpu.memory_space<vmem>> -> memref<128xi32, #tpu.memory_space<vmem>>
    %dma_start3A_294 = arith.constant 0 : i32
    %dma_start3A_295 = arith.constant 0 : i32
    %dma_start3A_296 = tpu.memref_slice %arg2[%dma_start3A_294, %dma_start3A_295] : memref<100000x64xf32, #tpu.memory_space<hbm>> -> memref<100000x64xf32, #tpu.memory_space<hbm>>
    tpu.enqueue_indirect_dma source(%dma_start3A_296 : memref<100000x64xf32, #tpu.memory_space<hbm>>) target(%dma_start3A_291 : memref<128x64xf32, #tpu.memory_space<vmem>>) offsets(%dma_start3A_293 : memref<128xi32, #tpu.memory_space<vmem>>) semaphore(%arg10 : memref<!tpu.dma_semaphore, #tpu.memory_space<semaphore_mem>>)
    %scan3A = arith.constant 0 : i32
    %scan3A_297 = arith.constant 23 : i32
    %scan3A_298 = arith.addi %scan3A, %scan3A_297 : i32
    %scan3A_299 = arith.constant 1 : i32
    scf.for %scan3A_613 = %scan3A to %scan3A_298 step %scan3A_299  : i32 {
      %mul3A_614 = arith.constant 1 : i32
      %mul3A_615 = arith.muli %scan3A_613, %mul3A_614 : i32
      %add3A_616 = arith.constant 1 : i32
      %add3A_617 = arith.addi %add3A_616, %mul3A_615 : i32
      %mul3A_618 = arith.constant 8 : i32
      %mul3A_619 = arith.muli %add3A_617, %mul3A_618 : i32
      %dma_wait3A_620 = arith.constant 0 : i32
      %dma_wait3A_621 = arith.constant 0 : i32
      %dma_wait3A_622 = tpu.memref_slice %arg6[%dma_wait3A_620, %dma_wait3A_621] : memref<1024x64xf32, #tpu.memory_space<vmem>> -> memref<128x64xf32, #tpu.memory_space<vmem>>
      %dma_wait3A_623 = arith.constant 0 : i32
      %dma_wait3A_624 = tpu.memref_slice %arg5[%dma_wait3A_623] : memref<25600xi32, #tpu.memory_space<vmem>> -> memref<128xi32, #tpu.memory_space<vmem>>
      %dma_wait3A_625 = arith.constant 0 : i32
      %dma_wait3A_626 = arith.constant 0 : i32
      %dma_wait3A_627 = tpu.memref_slice %arg2[%dma_wait3A_625, %dma_wait3A_626] : memref<100000x64xf32, #tpu.memory_space<hbm>> -> memref<100000x64xf32, #tpu.memory_space<hbm>>
      tpu.wait_indirect_dma semaphore(%arg7 : memref<!tpu.dma_semaphore, #tpu.memory_space<semaphore_mem>>) src(%dma_wait3A_627 : memref<100000x64xf32, #tpu.memory_space<hbm>>) dst(%dma_wait3A_622 : memref<128x64xf32, #tpu.memory_space<vmem>>)
      %add3A_628 = arith.constant 0 : i32
      %add3A_629 = arith.addi %mul3A_619, %add3A_628 : i32
      %mul3A_630 = arith.constant 128 : i32
      %mul3A_631 = arith.muli %add3A_629, %mul3A_630 : i32
      %add3A_632 = arith.addi %mul3A_2, %mul3A_631 : i32
      %dma_start3A_633 = arith.constant 0 : i32
      %dma_start3A_634 = arith.constant 0 : i32
      %dma_start3A_635 = tpu.memref_slice %arg6[%dma_start3A_633, %dma_start3A_634] : memref<1024x64xf32, #tpu.memory_space<vmem>> -> memref<128x64xf32, #tpu.memory_space<vmem>>
      %dma_start3A_636 = arith.constant 0 : i32
      %dma_start3A_637 = tpu.memref_slice %arg4[%add3A_632, %dma_start3A_636] : memref<819200x64xf32, #tpu.memory_space<hbm>> -> memref<128x64xf32, #tpu.memory_space<hbm>>
      %dma_start3A_638 = arith.constant 0 : i32
      %dma_start3A_639 = tpu.memref_slice %arg4[%add3A_632, %dma_start3A_638] : memref<819200x64xf32, #tpu.memory_space<hbm>> -> memref<128x64xf32, #tpu.memory_space<hbm>>
      %dma_start3A_640 = arith.constant 0 : i32
      %dma_start3A_641 = arith.constant 0 : i32
      %dma_start3A_642 = tpu.memref_slice %arg6[%dma_start3A_640, %dma_start3A_641] : memref<1024x64xf32, #tpu.memory_space<vmem>> -> memref<128x64xf32, #tpu.memory_space<vmem>>
      tpu.enqueue_dma source(%dma_start3A_642 : memref<128x64xf32, #tpu.memory_space<vmem>>) target(%dma_start3A_639 : memref<128x64xf32, #tpu.memory_space<hbm>>) target_semaphore(%arg15 : memref<!tpu.dma_semaphore, #tpu.memory_space<semaphore_mem>>)
      %dma_wait3A_643 = arith.constant 512 : i32
      %dma_wait3A_644 = arith.constant 0 : i32
      %dma_wait3A_645 = tpu.memref_slice %arg6[%dma_wait3A_643, %dma_wait3A_644] : memref<1024x64xf32, #tpu.memory_space<vmem>> -> memref<128x64xf32, #tpu.memory_space<vmem>>
      %dma_wait3A_646 = arith.constant 0 : i32
      %dma_wait3A_647 = tpu.memref_slice %arg4[%mul3A_2, %dma_wait3A_646] : memref<819200x64xf32, #tpu.memory_space<hbm>> -> memref<128x64xf32, #tpu.memory_space<hbm>>
      %dma_wait3A_648 = arith.constant 0 : i32
      %dma_wait3A_649 = tpu.memref_slice %arg4[%mul3A_2, %dma_wait3A_648] : memref<819200x64xf32, #tpu.memory_space<hbm>> -> memref<128x64xf32, #tpu.memory_space<hbm>>
      %dma_wait3A_650 = arith.constant 512 : i32
      %dma_wait3A_651 = arith.constant 0 : i32
      %dma_wait3A_652 = tpu.memref_slice %arg6[%dma_wait3A_650, %dma_wait3A_651] : memref<1024x64xf32, #tpu.memory_space<vmem>> -> memref<128x64xf32, #tpu.memory_space<vmem>>
      tpu.wait_dma2 semaphore(%arg19 : memref<!tpu.dma_semaphore, #tpu.memory_space<semaphore_mem>>) src(%dma_wait3A_652 : memref<128x64xf32, #tpu.memory_space<vmem>>) dst(%dma_wait3A_649 : memref<128x64xf32, #tpu.memory_space<hbm>>)
      %add3A_653 = arith.constant 0 : i32
      %add3A_654 = arith.addi %mul3A_619, %add3A_653 : i32
      %add3A_655 = arith.constant 4 : i32
      %add3A_656 = arith.addi %add3A_654, %add3A_655 : i32
      %mul3A_657 = arith.constant 128 : i32
      %mul3A_658 = arith.muli %add3A_656, %mul3A_657 : i32
      %dma_start3A_659 = arith.constant 512 : i32
      %dma_start3A_660 = arith.constant 0 : i32
      %dma_start3A_661 = tpu.memref_slice %arg6[%dma_start3A_659, %dma_start3A_660] : memref<1024x64xf32, #tpu.memory_space<vmem>> -> memref<128x64xf32, #tpu.memory_space<vmem>>
      %dma_start3A_662 = tpu.memref_slice %arg5[%mul3A_658] : memref<25600xi32, #tpu.memory_space<vmem>> -> memref<128xi32, #tpu.memory_space<vmem>>
      %dma_start3A_663 = arith.constant 0 : i32
      %dma_start3A_664 = arith.constant 0 : i32
      %dma_start3A_665 = tpu.memref_slice %arg2[%dma_start3A_663, %dma_start3A_664] : memref<100000x64xf32, #tpu.memory_space<hbm>> -> memref<100000x64xf32, #tpu.memory_space<hbm>>
      tpu.enqueue_indirect_dma source(%dma_start3A_665 : memref<100000x64xf32, #tpu.memory_space<hbm>>) target(%dma_start3A_661 : memref<128x64xf32, #tpu.memory_space<vmem>>) offsets(%dma_start3A_662 : memref<128xi32, #tpu.memory_space<vmem>>) semaphore(%arg11 : memref<!tpu.dma_semaphore, #tpu.memory_space<semaphore_mem>>)
      %dma_wait3A_666 = arith.constant 128 : i32
      %dma_wait3A_667 = arith.constant 0 : i32
      %dma_wait3A_668 = tpu.memref_slice %arg6[%dma_wait3A_666, %dma_wait3A_667] : memref<1024x64xf32, #tpu.memory_space<vmem>> -> memref<128x64xf32, #tpu.memory_space<vmem>>
      %dma_wait3A_669 = arith.constant 0 : i32
      %dma_wait3A_670 = tpu.memref_slice %arg5[%dma_wait3A_669] : memref<25600xi32, #tpu.memory_space<vmem>> -> memref<128xi32, #tpu.memory_space<vmem>>
      %dma_wait3A_671 = arith.constant 0 : i32
      %dma_wait3A_672 = arith.constant 0 : i32
      %dma_wait3A_673 = tpu.memref_slice %arg2[%dma_wait3A_671, %dma_wait3A_672] : memref<100000x64xf32, #tpu.memory_space<hbm>> -> memref<100000x64xf32, #tpu.memory_space<hbm>>
      tpu.wait_indirect_dma semaphore(%arg8 : memref<!tpu.dma_semaphore, #tpu.memory_space<semaphore_mem>>) src(%dma_wait3A_673 : memref<100000x64xf32, #tpu.memory_space<hbm>>) dst(%dma_wait3A_668 : memref<128x64xf32, #tpu.memory_space<vmem>>)
      %add3A_674 = arith.constant 1 : i32
      %add3A_675 = arith.addi %mul3A_619, %add3A_674 : i32
      %mul3A_676 = arith.constant 128 : i32
      %mul3A_677 = arith.muli %add3A_675, %mul3A_676 : i32
      %add3A_678 = arith.addi %mul3A_2, %mul3A_677 : i32
      %dma_start3A_679 = arith.constant 128 : i32
      %dma_start3A_680 = arith.constant 0 : i32
      %dma_start3A_681 = tpu.memref_slice %arg6[%dma_start3A_679, %dma_start3A_680] : memref<1024x64xf32, #tpu.memory_space<vmem>> -> memref<128x64xf32, #tpu.memory_space<vmem>>
      %dma_start3A_682 = arith.constant 0 : i32
      %dma_start3A_683 = tpu.memref_slice %arg4[%add3A_678, %dma_start3A_682] : memref<819200x64xf32, #tpu.memory_space<hbm>> -> memref<128x64xf32, #tpu.memory_space<hbm>>
      %dma_start3A_684 = arith.constant 0 : i32
      %dma_start3A_685 = tpu.memref_slice %arg4[%add3A_678, %dma_start3A_684] : memref<819200x64xf32, #tpu.memory_space<hbm>> -> memref<128x64xf32, #tpu.memory_space<hbm>>
      %dma_start3A_686 = arith.constant 128 : i32
      %dma_start3A_687 = arith.constant 0 : i32
      %dma_start3A_688 = tpu.memref_slice %arg6[%dma_start3A_686, %dma_start3A_687] : memref<1024x64xf32, #tpu.memory_space<vmem>> -> memref<128x64xf32, #tpu.memory_space<vmem>>
      tpu.enqueue_dma source(%dma_start3A_688 : memref<128x64xf32, #tpu.memory_space<vmem>>) target(%dma_start3A_685 : memref<128x64xf32, #tpu.memory_space<hbm>>) target_semaphore(%arg16 : memref<!tpu.dma_semaphore, #tpu.memory_space<semaphore_mem>>)
      %dma_wait3A_689 = arith.constant 640 : i32
      %dma_wait3A_690 = arith.constant 0 : i32
      %dma_wait3A_691 = tpu.memref_slice %arg6[%dma_wait3A_689, %dma_wait3A_690] : memref<1024x64xf32, #tpu.memory_space<vmem>> -> memref<128x64xf32, #tpu.memory_space<vmem>>
      %dma_wait3A_692 = arith.constant 0 : i32
      %dma_wait3A_693 = tpu.memref_slice %arg4[%mul3A_2, %dma_wait3A_692] : memref<819200x64xf32, #tpu.memory_space<hbm>> -> memref<128x64xf32, #tpu.memory_space<hbm>>
      %dma_wait3A_694 = arith.constant 0 : i32
      %dma_wait3A_695 = tpu.memref_slice %arg4[%mul3A_2, %dma_wait3A_694] : memref<819200x64xf32, #tpu.memory_space<hbm>> -> memref<128x64xf32, #tpu.memory_space<hbm>>
      %dma_wait3A_696 = arith.constant 640 : i32
      %dma_wait3A_697 = arith.constant 0 : i32
      %dma_wait3A_698 = tpu.memref_slice %arg6[%dma_wait3A_696, %dma_wait3A_697] : memref<1024x64xf32, #tpu.memory_space<vmem>> -> memref<128x64xf32, #tpu.memory_space<vmem>>
      tpu.wait_dma2 semaphore(%arg20 : memref<!tpu.dma_semaphore, #tpu.memory_space<semaphore_mem>>) src(%dma_wait3A_698 : memref<128x64xf32, #tpu.memory_space<vmem>>) dst(%dma_wait3A_695 : memref<128x64xf32, #tpu.memory_space<hbm>>)
      %add3A_699 = arith.constant 1 : i32
      %add3A_700 = arith.addi %mul3A_619, %add3A_699 : i32
      %add3A_701 = arith.constant 4 : i32
      %add3A_702 = arith.addi %add3A_700, %add3A_701 : i32
      %mul3A_703 = arith.constant 128 : i32
      %mul3A_704 = arith.muli %add3A_702, %mul3A_703 : i32
      %dma_start3A_705 = arith.constant 640 : i32
      %dma_start3A_706 = arith.constant 0 : i32
      %dma_start3A_707 = tpu.memref_slice %arg6[%dma_start3A_705, %dma_start3A_706] : memref<1024x64xf32, #tpu.memory_space<vmem>> -> memref<128x64xf32, #tpu.memory_space<vmem>>
      %dma_start3A_708 = tpu.memref_slice %arg5[%mul3A_704] : memref<25600xi32, #tpu.memory_space<vmem>> -> memref<128xi32, #tpu.memory_space<vmem>>
      %dma_start3A_709 = arith.constant 0 : i32
      %dma_start3A_710 = arith.constant 0 : i32
      %dma_start3A_711 = tpu.memref_slice %arg2[%dma_start3A_709, %dma_start3A_710] : memref<100000x64xf32, #tpu.memory_space<hbm>> -> memref<100000x64xf32, #tpu.memory_space<hbm>>
      tpu.enqueue_indirect_dma source(%dma_start3A_711 : memref<100000x64xf32, #tpu.memory_space<hbm>>) target(%dma_start3A_707 : memref<128x64xf32, #tpu.memory_space<vmem>>) offsets(%dma_start3A_708 : memref<128xi32, #tpu.memory_space<vmem>>) semaphore(%arg12 : memref<!tpu.dma_semaphore, #tpu.memory_space<semaphore_mem>>)
      %dma_wait3A_712 = arith.constant 256 : i32
      %dma_wait3A_713 = arith.constant 0 : i32
      %dma_wait3A_714 = tpu.memref_slice %arg6[%dma_wait3A_712, %dma_wait3A_713] : memref<1024x64xf32, #tpu.memory_space<vmem>> -> memref<128x64xf32, #tpu.memory_space<vmem>>
      %dma_wait3A_715 = arith.constant 0 : i32
      %dma_wait3A_716 = tpu.memref_slice %arg5[%dma_wait3A_715] : memref<25600xi32, #tpu.memory_space<vmem>> -> memref<128xi32, #tpu.memory_space<vmem>>
      %dma_wait3A_717 = arith.constant 0 : i32
      %dma_wait3A_718 = arith.constant 0 : i32
      %dma_wait3A_719 = tpu.memref_slice %arg2[%dma_wait3A_717, %dma_wait3A_718] : memref<100000x64xf32, #tpu.memory_space<hbm>> -> memref<100000x64xf32, #tpu.memory_space<hbm>>
      tpu.wait_indirect_dma semaphore(%arg9 : memref<!tpu.dma_semaphore, #tpu.memory_space<semaphore_mem>>) src(%dma_wait3A_719 : memref<100000x64xf32, #tpu.memory_space<hbm>>) dst(%dma_wait3A_714 : memref<128x64xf32, #tpu.memory_space<vmem>>)
      %add3A_720 = arith.constant 2 : i32
      %add3A_721 = arith.addi %mul3A_619, %add3A_720 : i32
      %mul3A_722 = arith.constant 128 : i32
      %mul3A_723 = arith.muli %add3A_721, %mul3A_722 : i32
      %add3A_724 = arith.addi %mul3A_2, %mul3A_723 : i32
      %dma_start3A_725 = arith.constant 256 : i32
      %dma_start3A_726 = arith.constant 0 : i32
      %dma_start3A_727 = tpu.memref_slice %arg6[%dma_start3A_725, %dma_start3A_726] : memref<1024x64xf32, #tpu.memory_space<vmem>> -> memref<128x64xf32, #tpu.memory_space<vmem>>
      %dma_start3A_728 = arith.constant 0 : i32
      %dma_start3A_729 = tpu.memref_slice %arg4[%add3A_724, %dma_start3A_728] : memref<819200x64xf32, #tpu.memory_space<hbm>> -> memref<128x64xf32, #tpu.memory_space<hbm>>
      %dma_start3A_730 = arith.constant 0 : i32
      %dma_start3A_731 = tpu.memref_slice %arg4[%add3A_724, %dma_start3A_730] : memref<819200x64xf32, #tpu.memory_space<hbm>> -> memref<128x64xf32, #tpu.memory_space<hbm>>
      %dma_start3A_732 = arith.constant 256 : i32
      %dma_start3A_733 = arith.constant 0 : i32
      %dma_start3A_734 = tpu.memref_slice %arg6[%dma_start3A_732, %dma_start3A_733] : memref<1024x64xf32, #tpu.memory_space<vmem>> -> memref<128x64xf32, #tpu.memory_space<vmem>>
      tpu.enqueue_dma source(%dma_start3A_734 : memref<128x64xf32, #tpu.memory_space<vmem>>) target(%dma_start3A_731 : memref<128x64xf32, #tpu.memory_space<hbm>>) target_semaphore(%arg17 : memref<!tpu.dma_semaphore, #tpu.memory_space<semaphore_mem>>)
      %dma_wait3A_735 = arith.constant 768 : i32
      %dma_wait3A_736 = arith.constant 0 : i32
      %dma_wait3A_737 = tpu.memref_slice %arg6[%dma_wait3A_735, %dma_wait3A_736] : memref<1024x64xf32, #tpu.memory_space<vmem>> -> memref<128x64xf32, #tpu.memory_space<vmem>>
      %dma_wait3A_738 = arith.constant 0 : i32
      %dma_wait3A_739 = tpu.memref_slice %arg4[%mul3A_2, %dma_wait3A_738] : memref<819200x64xf32, #tpu.memory_space<hbm>> -> memref<128x64xf32, #tpu.memory_space<hbm>>
      %dma_wait3A_740 = arith.constant 0 : i32
      %dma_wait3A_741 = tpu.memref_slice %arg4[%mul3A_2, %dma_wait3A_740] : memref<819200x64xf32, #tpu.memory_space<hbm>> -> memref<128x64xf32, #tpu.memory_space<hbm>>
      %dma_wait3A_742 = arith.constant 768 : i32
      %dma_wait3A_743 = arith.constant 0 : i32
      %dma_wait3A_744 = tpu.memref_slice %arg6[%dma_wait3A_742, %dma_wait3A_743] : memref<1024x64xf32, #tpu.memory_space<vmem>> -> memref<128x64xf32, #tpu.memory_space<vmem>>
      tpu.wait_dma2 semaphore(%arg21 : memref<!tpu.dma_semaphore, #tpu.memory_space<semaphore_mem>>) src(%dma_wait3A_744 : memref<128x64xf32, #tpu.memory_space<vmem>>) dst(%dma_wait3A_741 : memref<128x64xf32, #tpu.memory_space<hbm>>)
      %add3A_745 = arith.constant 2 : i32
      %add3A_746 = arith.addi %mul3A_619, %add3A_745 : i32
      %add3A_747 = arith.constant 4 : i32
      %add3A_748 = arith.addi %add3A_746, %add3A_747 : i32
      %mul3A_749 = arith.constant 128 : i32
      %mul3A_750 = arith.muli %add3A_748, %mul3A_749 : i32
      %dma_start3A_751 = arith.constant 768 : i32
      %dma_start3A_752 = arith.constant 0 : i32
      %dma_start3A_753 = tpu.memref_slice %arg6[%dma_start3A_751, %dma_start3A_752] : memref<1024x64xf32, #tpu.memory_space<vmem>> -> memref<128x64xf32, #tpu.memory_space<vmem>>
      %dma_start3A_754 = tpu.memref_slice %arg5[%mul3A_750] : memref<25600xi32, #tpu.memory_space<vmem>> -> memref<128xi32, #tpu.memory_space<vmem>>
      %dma_start3A_755 = arith.constant 0 : i32
      %dma_start3A_756 = arith.constant 0 : i32
      %dma_start3A_757 = tpu.memref_slice %arg2[%dma_start3A_755, %dma_start3A_756] : memref<100000x64xf32, #tpu.memory_space<hbm>> -> memref<100000x64xf32, #tpu.memory_space<hbm>>
      tpu.enqueue_indirect_dma source(%dma_start3A_757 : memref<100000x64xf32, #tpu.memory_space<hbm>>) target(%dma_start3A_753 : memref<128x64xf32, #tpu.memory_space<vmem>>) offsets(%dma_start3A_754 : memref<128xi32, #tpu.memory_space<vmem>>) semaphore(%arg13 : memref<!tpu.dma_semaphore, #tpu.memory_space<semaphore_mem>>)
      %dma_wait3A_758 = arith.constant 384 : i32
      %dma_wait3A_759 = arith.constant 0 : i32
      %dma_wait3A_760 = tpu.memref_slice %arg6[%dma_wait3A_758, %dma_wait3A_759] : memref<1024x64xf32, #tpu.memory_space<vmem>> -> memref<128x64xf32, #tpu.memory_space<vmem>>
      %dma_wait3A_761 = arith.constant 0 : i32
      %dma_wait3A_762 = tpu.memref_slice %arg5[%dma_wait3A_761] : memref<25600xi32, #tpu.memory_space<vmem>> -> memref<128xi32, #tpu.memory_space<vmem>>
      %dma_wait3A_763 = arith.constant 0 : i32
      %dma_wait3A_764 = arith.constant 0 : i32
      %dma_wait3A_765 = tpu.memref_slice %arg2[%dma_wait3A_763, %dma_wait3A_764] : memref<100000x64xf32, #tpu.memory_space<hbm>> -> memref<100000x64xf32, #tpu.memory_space<hbm>>
      tpu.wait_indirect_dma semaphore(%arg10 : memref<!tpu.dma_semaphore, #tpu.memory_space<semaphore_mem>>) src(%dma_wait3A_765 : memref<100000x64xf32, #tpu.memory_space<hbm>>) dst(%dma_wait3A_760 : memref<128x64xf32, #tpu.memory_space<vmem>>)
      %add3A_766 = arith.constant 3 : i32
      %add3A_767 = arith.addi %mul3A_619, %add3A_766 : i32
      %mul3A_768 = arith.constant 128 : i32
      %mul3A_769 = arith.muli %add3A_767, %mul3A_768 : i32
      %add3A_770 = arith.addi %mul3A_2, %mul3A_769 : i32
      %dma_start3A_771 = arith.constant 384 : i32
      %dma_start3A_772 = arith.constant 0 : i32
      %dma_start3A_773 = tpu.memref_slice %arg6[%dma_start3A_771, %dma_start3A_772] : memref<1024x64xf32, #tpu.memory_space<vmem>> -> memref<128x64xf32, #tpu.memory_space<vmem>>
      %dma_start3A_774 = arith.constant 0 : i32
      %dma_start3A_775 = tpu.memref_slice %arg4[%add3A_770, %dma_start3A_774] : memref<819200x64xf32, #tpu.memory_space<hbm>> -> memref<128x64xf32, #tpu.memory_space<hbm>>
      %dma_start3A_776 = arith.constant 0 : i32
      %dma_start3A_777 = tpu.memref_slice %arg4[%add3A_770, %dma_start3A_776] : memref<819200x64xf32, #tpu.memory_space<hbm>> -> memref<128x64xf32, #tpu.memory_space<hbm>>
      %dma_start3A_778 = arith.constant 384 : i32
      %dma_start3A_779 = arith.constant 0 : i32
      %dma_start3A_780 = tpu.memref_slice %arg6[%dma_start3A_778, %dma_start3A_779] : memref<1024x64xf32, #tpu.memory_space<vmem>> -> memref<128x64xf32, #tpu.memory_space<vmem>>
      tpu.enqueue_dma source(%dma_start3A_780 : memref<128x64xf32, #tpu.memory_space<vmem>>) target(%dma_start3A_777 : memref<128x64xf32, #tpu.memory_space<hbm>>) target_semaphore(%arg18 : memref<!tpu.dma_semaphore, #tpu.memory_space<semaphore_mem>>)
      %dma_wait3A_781 = arith.constant 896 : i32
      %dma_wait3A_782 = arith.constant 0 : i32
      %dma_wait3A_783 = tpu.memref_slice %arg6[%dma_wait3A_781, %dma_wait3A_782] : memref<1024x64xf32, #tpu.memory_space<vmem>> -> memref<128x64xf32, #tpu.memory_space<vmem>>
      %dma_wait3A_784 = arith.constant 0 : i32
      %dma_wait3A_785 = tpu.memref_slice %arg4[%mul3A_2, %dma_wait3A_784] : memref<819200x64xf32, #tpu.memory_space<hbm>> -> memref<128x64xf32, #tpu.memory_space<hbm>>
      %dma_wait3A_786 = arith.constant 0 : i32
      %dma_wait3A_787 = tpu.memref_slice %arg4[%mul3A_2, %dma_wait3A_786] : memref<819200x64xf32, #tpu.memory_space<hbm>> -> memref<128x64xf32, #tpu.memory_space<hbm>>
      %dma_wait3A_788 = arith.constant 896 : i32
      %dma_wait3A_789 = arith.constant 0 : i32
      %dma_wait3A_790 = tpu.memref_slice %arg6[%dma_wait3A_788, %dma_wait3A_789] : memref<1024x64xf32, #tpu.memory_space<vmem>> -> memref<128x64xf32, #tpu.memory_space<vmem>>
      tpu.wait_dma2 semaphore(%arg22 : memref<!tpu.dma_semaphore, #tpu.memory_space<semaphore_mem>>) src(%dma_wait3A_790 : memref<128x64xf32, #tpu.memory_space<vmem>>) dst(%dma_wait3A_787 : memref<128x64xf32, #tpu.memory_space<hbm>>)
      %add3A_791 = arith.constant 3 : i32
      %add3A_792 = arith.addi %mul3A_619, %add3A_791 : i32
      %add3A_793 = arith.constant 4 : i32
      %add3A_794 = arith.addi %add3A_792, %add3A_793 : i32
      %mul3A_795 = arith.constant 128 : i32
      %mul3A_796 = arith.muli %add3A_794, %mul3A_795 : i32
      %dma_start3A_797 = arith.constant 896 : i32
      %dma_start3A_798 = arith.constant 0 : i32
      %dma_start3A_799 = tpu.memref_slice %arg6[%dma_start3A_797, %dma_start3A_798] : memref<1024x64xf32, #tpu.memory_space<vmem>> -> memref<128x64xf32, #tpu.memory_space<vmem>>
      %dma_start3A_800 = tpu.memref_slice %arg5[%mul3A_796] : memref<25600xi32, #tpu.memory_space<vmem>> -> memref<128xi32, #tpu.memory_space<vmem>>
      %dma_start3A_801 = arith.constant 0 : i32
      %dma_start3A_802 = arith.constant 0 : i32
      %dma_start3A_803 = tpu.memref_slice %arg2[%dma_start3A_801, %dma_start3A_802] : memref<100000x64xf32, #tpu.memory_space<hbm>> -> memref<100000x64xf32, #tpu.memory_space<hbm>>
      tpu.enqueue_indirect_dma source(%dma_start3A_803 : memref<100000x64xf32, #tpu.memory_space<hbm>>) target(%dma_start3A_799 : memref<128x64xf32, #tpu.memory_space<vmem>>) offsets(%dma_start3A_800 : memref<128xi32, #tpu.memory_space<vmem>>) semaphore(%arg14 : memref<!tpu.dma_semaphore, #tpu.memory_space<semaphore_mem>>)
      %dma_wait3A_804 = arith.constant 512 : i32
      %dma_wait3A_805 = arith.constant 0 : i32
      %dma_wait3A_806 = tpu.memref_slice %arg6[%dma_wait3A_804, %dma_wait3A_805] : memref<1024x64xf32, #tpu.memory_space<vmem>> -> memref<128x64xf32, #tpu.memory_space<vmem>>
      %dma_wait3A_807 = arith.constant 0 : i32
      %dma_wait3A_808 = tpu.memref_slice %arg5[%dma_wait3A_807] : memref<25600xi32, #tpu.memory_space<vmem>> -> memref<128xi32, #tpu.memory_space<vmem>>
      %dma_wait3A_809 = arith.constant 0 : i32
      %dma_wait3A_810 = arith.constant 0 : i32
      %dma_wait3A_811 = tpu.memref_slice %arg2[%dma_wait3A_809, %dma_wait3A_810] : memref<100000x64xf32, #tpu.memory_space<hbm>> -> memref<100000x64xf32, #tpu.memory_space<hbm>>
      tpu.wait_indirect_dma semaphore(%arg11 : memref<!tpu.dma_semaphore, #tpu.memory_space<semaphore_mem>>) src(%dma_wait3A_811 : memref<100000x64xf32, #tpu.memory_space<hbm>>) dst(%dma_wait3A_806 : memref<128x64xf32, #tpu.memory_space<vmem>>)
      %add3A_812 = arith.constant 4 : i32
      %add3A_813 = arith.addi %mul3A_619, %add3A_812 : i32
      %mul3A_814 = arith.constant 128 : i32
      %mul3A_815 = arith.muli %add3A_813, %mul3A_814 : i32
      %add3A_816 = arith.addi %mul3A_2, %mul3A_815 : i32
      %dma_start3A_817 = arith.constant 512 : i32
      %dma_start3A_818 = arith.constant 0 : i32
      %dma_start3A_819 = tpu.memref_slice %arg6[%dma_start3A_817, %dma_start3A_818] : memref<1024x64xf32, #tpu.memory_space<vmem>> -> memref<128x64xf32, #tpu.memory_space<vmem>>
      %dma_start3A_820 = arith.constant 0 : i32
      %dma_start3A_821 = tpu.memref_slice %arg4[%add3A_816, %dma_start3A_820] : memref<819200x64xf32, #tpu.memory_space<hbm>> -> memref<128x64xf32, #tpu.memory_space<hbm>>
      %dma_start3A_822 = arith.constant 0 : i32
      %dma_start3A_823 = tpu.memref_slice %arg4[%add3A_816, %dma_start3A_822] : memref<819200x64xf32, #tpu.memory_space<hbm>> -> memref<128x64xf32, #tpu.memory_space<hbm>>
      %dma_start3A_824 = arith.constant 512 : i32
      %dma_start3A_825 = arith.constant 0 : i32
      %dma_start3A_826 = tpu.memref_slice %arg6[%dma_start3A_824, %dma_start3A_825] : memref<1024x64xf32, #tpu.memory_space<vmem>> -> memref<128x64xf32, #tpu.memory_space<vmem>>
      tpu.enqueue_dma source(%dma_start3A_826 : memref<128x64xf32, #tpu.memory_space<vmem>>) target(%dma_start3A_823 : memref<128x64xf32, #tpu.memory_space<hbm>>) target_semaphore(%arg19 : memref<!tpu.dma_semaphore, #tpu.memory_space<semaphore_mem>>)
      %dma_wait3A_827 = arith.constant 0 : i32
      %dma_wait3A_828 = arith.constant 0 : i32
      %dma_wait3A_829 = tpu.memref_slice %arg6[%dma_wait3A_827, %dma_wait3A_828] : memref<1024x64xf32, #tpu.memory_space<vmem>> -> memref<128x64xf32, #tpu.memory_space<vmem>>
      %dma_wait3A_830 = arith.constant 0 : i32
      %dma_wait3A_831 = tpu.memref_slice %arg4[%mul3A_2, %dma_wait3A_830] : memref<819200x64xf32, #tpu.memory_space<hbm>> -> memref<128x64xf32, #tpu.memory_space<hbm>>
      %dma_wait3A_832 = arith.constant 0 : i32
      %dma_wait3A_833 = tpu.memref_slice %arg4[%mul3A_2, %dma_wait3A_832] : memref<819200x64xf32, #tpu.memory_space<hbm>> -> memref<128x64xf32, #tpu.memory_space<hbm>>
      %dma_wait3A_834 = arith.constant 0 : i32
      %dma_wait3A_835 = arith.constant 0 : i32
      %dma_wait3A_836 = tpu.memref_slice %arg6[%dma_wait3A_834, %dma_wait3A_835] : memref<1024x64xf32, #tpu.memory_space<vmem>> -> memref<128x64xf32, #tpu.memory_space<vmem>>
      tpu.wait_dma2 semaphore(%arg15 : memref<!tpu.dma_semaphore, #tpu.memory_space<semaphore_mem>>) src(%dma_wait3A_836 : memref<128x64xf32, #tpu.memory_space<vmem>>) dst(%dma_wait3A_833 : memref<128x64xf32, #tpu.memory_space<hbm>>)
      %add3A_837 = arith.constant 4 : i32
      %add3A_838 = arith.addi %mul3A_619, %add3A_837 : i32
      %add3A_839 = arith.constant 4 : i32
      %add3A_840 = arith.addi %add3A_838, %add3A_839 : i32
      %mul3A_841 = arith.constant 128 : i32
      %mul3A_842 = arith.muli %add3A_840, %mul3A_841 : i32
      %dma_start3A_843 = arith.constant 0 : i32
      %dma_start3A_844 = arith.constant 0 : i32
      %dma_start3A_845 = tpu.memref_slice %arg6[%dma_start3A_843, %dma_start3A_844] : memref<1024x64xf32, #tpu.memory_space<vmem>> -> memref<128x64xf32, #tpu.memory_space<vmem>>
      %dma_start3A_846 = tpu.memref_slice %arg5[%mul3A_842] : memref<25600xi32, #tpu.memory_space<vmem>> -> memref<128xi32, #tpu.memory_space<vmem>>
      %dma_start3A_847 = arith.constant 0 : i32
      %dma_start3A_848 = arith.constant 0 : i32
      %dma_start3A_849 = tpu.memref_slice %arg2[%dma_start3A_847, %dma_start3A_848] : memref<100000x64xf32, #tpu.memory_space<hbm>> -> memref<100000x64xf32, #tpu.memory_space<hbm>>
      tpu.enqueue_indirect_dma source(%dma_start3A_849 : memref<100000x64xf32, #tpu.memory_space<hbm>>) target(%dma_start3A_845 : memref<128x64xf32, #tpu.memory_space<vmem>>) offsets(%dma_start3A_846 : memref<128xi32, #tpu.memory_space<vmem>>) semaphore(%arg7 : memref<!tpu.dma_semaphore, #tpu.memory_space<semaphore_mem>>)
      %dma_wait3A_850 = arith.constant 640 : i32
      %dma_wait3A_851 = arith.constant 0 : i32
      %dma_wait3A_852 = tpu.memref_slice %arg6[%dma_wait3A_850, %dma_wait3A_851] : memref<1024x64xf32, #tpu.memory_space<vmem>> -> memref<128x64xf32, #tpu.memory_space<vmem>>
      %dma_wait3A_853 = arith.constant 0 : i32
      %dma_wait3A_854 = tpu.memref_slice %arg5[%dma_wait3A_853] : memref<25600xi32, #tpu.memory_space<vmem>> -> memref<128xi32, #tpu.memory_space<vmem>>
      %dma_wait3A_855 = arith.constant 0 : i32
      %dma_wait3A_856 = arith.constant 0 : i32
      %dma_wait3A_857 = tpu.memref_slice %arg2[%dma_wait3A_855, %dma_wait3A_856] : memref<100000x64xf32, #tpu.memory_space<hbm>> -> memref<100000x64xf32, #tpu.memory_space<hbm>>
      tpu.wait_indirect_dma semaphore(%arg12 : memref<!tpu.dma_semaphore, #tpu.memory_space<semaphore_mem>>) src(%dma_wait3A_857 : memref<100000x64xf32, #tpu.memory_space<hbm>>) dst(%dma_wait3A_852 : memref<128x64xf32, #tpu.memory_space<vmem>>)
      %add3A_858 = arith.constant 5 : i32
      %add3A_859 = arith.addi %mul3A_619, %add3A_858 : i32
      %mul3A_860 = arith.constant 128 : i32
      %mul3A_861 = arith.muli %add3A_859, %mul3A_860 : i32
      %add3A_862 = arith.addi %mul3A_2, %mul3A_861 : i32
      %dma_start3A_863 = arith.constant 640 : i32
      %dma_start3A_864 = arith.constant 0 : i32
      %dma_start3A_865 = tpu.memref_slice %arg6[%dma_start3A_863, %dma_start3A_864] : memref<1024x64xf32, #tpu.memory_space<vmem>> -> memref<128x64xf32, #tpu.memory_space<vmem>>
      %dma_start3A_866 = arith.constant 0 : i32
      %dma_start3A_867 = tpu.memref_slice %arg4[%add3A_862, %dma_start3A_866] : memref<819200x64xf32, #tpu.memory_space<hbm>> -> memref<128x64xf32, #tpu.memory_space<hbm>>
      %dma_start3A_868 = arith.constant 0 : i32
      %dma_start3A_869 = tpu.memref_slice %arg4[%add3A_862, %dma_start3A_868] : memref<819200x64xf32, #tpu.memory_space<hbm>> -> memref<128x64xf32, #tpu.memory_space<hbm>>
      %dma_start3A_870 = arith.constant 640 : i32
      %dma_start3A_871 = arith.constant 0 : i32
      %dma_start3A_872 = tpu.memref_slice %arg6[%dma_start3A_870, %dma_start3A_871] : memref<1024x64xf32, #tpu.memory_space<vmem>> -> memref<128x64xf32, #tpu.memory_space<vmem>>
      tpu.enqueue_dma source(%dma_start3A_872 : memref<128x64xf32, #tpu.memory_space<vmem>>) target(%dma_start3A_869 : memref<128x64xf32, #tpu.memory_space<hbm>>) target_semaphore(%arg20 : memref<!tpu.dma_semaphore, #tpu.memory_space<semaphore_mem>>)
      %dma_wait3A_873 = arith.constant 128 : i32
      %dma_wait3A_874 = arith.constant 0 : i32
      %dma_wait3A_875 = tpu.memref_slice %arg6[%dma_wait3A_873, %dma_wait3A_874] : memref<1024x64xf32, #tpu.memory_space<vmem>> -> memref<128x64xf32, #tpu.memory_space<vmem>>
      %dma_wait3A_876 = arith.constant 0 : i32
      %dma_wait3A_877 = tpu.memref_slice %arg4[%mul3A_2, %dma_wait3A_876] : memref<819200x64xf32, #tpu.memory_space<hbm>> -> memref<128x64xf32, #tpu.memory_space<hbm>>
      %dma_wait3A_878 = arith.constant 0 : i32
      %dma_wait3A_879 = tpu.memref_slice %arg4[%mul3A_2, %dma_wait3A_878] : memref<819200x64xf32, #tpu.memory_space<hbm>> -> memref<128x64xf32, #tpu.memory_space<hbm>>
      %dma_wait3A_880 = arith.constant 128 : i32
      %dma_wait3A_881 = arith.constant 0 : i32
      %dma_wait3A_882 = tpu.memref_slice %arg6[%dma_wait3A_880, %dma_wait3A_881] : memref<1024x64xf32, #tpu.memory_space<vmem>> -> memref<128x64xf32, #tpu.memory_space<vmem>>
      tpu.wait_dma2 semaphore(%arg16 : memref<!tpu.dma_semaphore, #tpu.memory_space<semaphore_mem>>) src(%dma_wait3A_882 : memref<128x64xf32, #tpu.memory_space<vmem>>) dst(%dma_wait3A_879 : memref<128x64xf32, #tpu.memory_space<hbm>>)
      %add3A_883 = arith.constant 5 : i32
      %add3A_884 = arith.addi %mul3A_619, %add3A_883 : i32
      %add3A_885 = arith.constant 4 : i32
      %add3A_886 = arith.addi %add3A_884, %add3A_885 : i32
      %mul3A_887 = arith.constant 128 : i32
      %mul3A_888 = arith.muli %add3A_886, %mul3A_887 : i32
      %dma_start3A_889 = arith.constant 128 : i32
      %dma_start3A_890 = arith.constant 0 : i32
      %dma_start3A_891 = tpu.memref_slice %arg6[%dma_start3A_889, %dma_start3A_890] : memref<1024x64xf32, #tpu.memory_space<vmem>> -> memref<128x64xf32, #tpu.memory_space<vmem>>
      %dma_start3A_892 = tpu.memref_slice %arg5[%mul3A_888] : memref<25600xi32, #tpu.memory_space<vmem>> -> memref<128xi32, #tpu.memory_space<vmem>>
      %dma_start3A_893 = arith.constant 0 : i32
      %dma_start3A_894 = arith.constant 0 : i32
      %dma_start3A_895 = tpu.memref_slice %arg2[%dma_start3A_893, %dma_start3A_894] : memref<100000x64xf32, #tpu.memory_space<hbm>> -> memref<100000x64xf32, #tpu.memory_space<hbm>>
      tpu.enqueue_indirect_dma source(%dma_start3A_895 : memref<100000x64xf32, #tpu.memory_space<hbm>>) target(%dma_start3A_891 : memref<128x64xf32, #tpu.memory_space<vmem>>) offsets(%dma_start3A_892 : memref<128xi32, #tpu.memory_space<vmem>>) semaphore(%arg8 : memref<!tpu.dma_semaphore, #tpu.memory_space<semaphore_mem>>)
      %dma_wait3A_896 = arith.constant 768 : i32
      %dma_wait3A_897 = arith.constant 0 : i32
      %dma_wait3A_898 = tpu.memref_slice %arg6[%dma_wait3A_896, %dma_wait3A_897] : memref<1024x64xf32, #tpu.memory_space<vmem>> -> memref<128x64xf32, #tpu.memory_space<vmem>>
      %dma_wait3A_899 = arith.constant 0 : i32
      %dma_wait3A_900 = tpu.memref_slice %arg5[%dma_wait3A_899] : memref<25600xi32, #tpu.memory_space<vmem>> -> memref<128xi32, #tpu.memory_space<vmem>>
      %dma_wait3A_901 = arith.constant 0 : i32
      %dma_wait3A_902 = arith.constant 0 : i32
      %dma_wait3A_903 = tpu.memref_slice %arg2[%dma_wait3A_901, %dma_wait3A_902] : memref<100000x64xf32, #tpu.memory_space<hbm>> -> memref<100000x64xf32, #tpu.memory_space<hbm>>
      tpu.wait_indirect_dma semaphore(%arg13 : memref<!tpu.dma_semaphore, #tpu.memory_space<semaphore_mem>>) src(%dma_wait3A_903 : memref<100000x64xf32, #tpu.memory_space<hbm>>) dst(%dma_wait3A_898 : memref<128x64xf32, #tpu.memory_space<vmem>>)
      %add3A_904 = arith.constant 6 : i32
      %add3A_905 = arith.addi %mul3A_619, %add3A_904 : i32
      %mul3A_906 = arith.constant 128 : i32
      %mul3A_907 = arith.muli %add3A_905, %mul3A_906 : i32
      %add3A_908 = arith.addi %mul3A_2, %mul3A_907 : i32
      %dma_start3A_909 = arith.constant 768 : i32
      %dma_start3A_910 = arith.constant 0 : i32
      %dma_start3A_911 = tpu.memref_slice %arg6[%dma_start3A_909, %dma_start3A_910] : memref<1024x64xf32, #tpu.memory_space<vmem>> -> memref<128x64xf32, #tpu.memory_space<vmem>>
      %dma_start3A_912 = arith.constant 0 : i32
      %dma_start3A_913 = tpu.memref_slice %arg4[%add3A_908, %dma_start3A_912] : memref<819200x64xf32, #tpu.memory_space<hbm>> -> memref<128x64xf32, #tpu.memory_space<hbm>>
      %dma_start3A_914 = arith.constant 0 : i32
      %dma_start3A_915 = tpu.memref_slice %arg4[%add3A_908, %dma_start3A_914] : memref<819200x64xf32, #tpu.memory_space<hbm>> -> memref<128x64xf32, #tpu.memory_space<hbm>>
      %dma_start3A_916 = arith.constant 768 : i32
      %dma_start3A_917 = arith.constant 0 : i32
      %dma_start3A_918 = tpu.memref_slice %arg6[%dma_start3A_916, %dma_start3A_917] : memref<1024x64xf32, #tpu.memory_space<vmem>> -> memref<128x64xf32, #tpu.memory_space<vmem>>
      tpu.enqueue_dma source(%dma_start3A_918 : memref<128x64xf32, #tpu.memory_space<vmem>>) target(%dma_start3A_915 : memref<128x64xf32, #tpu.memory_space<hbm>>) target_semaphore(%arg21 : memref<!tpu.dma_semaphore, #tpu.memory_space<semaphore_mem>>)
      %dma_wait3A_919 = arith.constant 256 : i32
      %dma_wait3A_920 = arith.constant 0 : i32
      %dma_wait3A_921 = tpu.memref_slice %arg6[%dma_wait3A_919, %dma_wait3A_920] : memref<1024x64xf32, #tpu.memory_space<vmem>> -> memref<128x64xf32, #tpu.memory_space<vmem>>
      %dma_wait3A_922 = arith.constant 0 : i32
      %dma_wait3A_923 = tpu.memref_slice %arg4[%mul3A_2, %dma_wait3A_922] : memref<819200x64xf32, #tpu.memory_space<hbm>> -> memref<128x64xf32, #tpu.memory_space<hbm>>
      %dma_wait3A_924 = arith.constant 0 : i32
      %dma_wait3A_925 = tpu.memref_slice %arg4[%mul3A_2, %dma_wait3A_924] : memref<819200x64xf32, #tpu.memory_space<hbm>> -> memref<128x64xf32, #tpu.memory_space<hbm>>
      %dma_wait3A_926 = arith.constant 256 : i32
      %dma_wait3A_927 = arith.constant 0 : i32
      %dma_wait3A_928 = tpu.memref_slice %arg6[%dma_wait3A_926, %dma_wait3A_927] : memref<1024x64xf32, #tpu.memory_space<vmem>> -> memref<128x64xf32, #tpu.memory_space<vmem>>
      tpu.wait_dma2 semaphore(%arg17 : memref<!tpu.dma_semaphore, #tpu.memory_space<semaphore_mem>>) src(%dma_wait3A_928 : memref<128x64xf32, #tpu.memory_space<vmem>>) dst(%dma_wait3A_925 : memref<128x64xf32, #tpu.memory_space<hbm>>)
      %add3A_929 = arith.constant 6 : i32
      %add3A_930 = arith.addi %mul3A_619, %add3A_929 : i32
      %add3A_931 = arith.constant 4 : i32
      %add3A_932 = arith.addi %add3A_930, %add3A_931 : i32
      %mul3A_933 = arith.constant 128 : i32
      %mul3A_934 = arith.muli %add3A_932, %mul3A_933 : i32
      %dma_start3A_935 = arith.constant 256 : i32
      %dma_start3A_936 = arith.constant 0 : i32
      %dma_start3A_937 = tpu.memref_slice %arg6[%dma_start3A_935, %dma_start3A_936] : memref<1024x64xf32, #tpu.memory_space<vmem>> -> memref<128x64xf32, #tpu.memory_space<vmem>>
      %dma_start3A_938 = tpu.memref_slice %arg5[%mul3A_934] : memref<25600xi32, #tpu.memory_space<vmem>> -> memref<128xi32, #tpu.memory_space<vmem>>
      %dma_start3A_939 = arith.constant 0 : i32
      %dma_start3A_940 = arith.constant 0 : i32
      %dma_start3A_941 = tpu.memref_slice %arg2[%dma_start3A_939, %dma_start3A_940] : memref<100000x64xf32, #tpu.memory_space<hbm>> -> memref<100000x64xf32, #tpu.memory_space<hbm>>
      tpu.enqueue_indirect_dma source(%dma_start3A_941 : memref<100000x64xf32, #tpu.memory_space<hbm>>) target(%dma_start3A_937 : memref<128x64xf32, #tpu.memory_space<vmem>>) offsets(%dma_start3A_938 : memref<128xi32, #tpu.memory_space<vmem>>) semaphore(%arg9 : memref<!tpu.dma_semaphore, #tpu.memory_space<semaphore_mem>>)
      %dma_wait3A_942 = arith.constant 896 : i32
      %dma_wait3A_943 = arith.constant 0 : i32
      %dma_wait3A_944 = tpu.memref_slice %arg6[%dma_wait3A_942, %dma_wait3A_943] : memref<1024x64xf32, #tpu.memory_space<vmem>> -> memref<128x64xf32, #tpu.memory_space<vmem>>
      %dma_wait3A_945 = arith.constant 0 : i32
      %dma_wait3A_946 = tpu.memref_slice %arg5[%dma_wait3A_945] : memref<25600xi32, #tpu.memory_space<vmem>> -> memref<128xi32, #tpu.memory_space<vmem>>
      %dma_wait3A_947 = arith.constant 0 : i32
      %dma_wait3A_948 = arith.constant 0 : i32
      %dma_wait3A_949 = tpu.memref_slice %arg2[%dma_wait3A_947, %dma_wait3A_948] : memref<100000x64xf32, #tpu.memory_space<hbm>> -> memref<100000x64xf32, #tpu.memory_space<hbm>>
      tpu.wait_indirect_dma semaphore(%arg14 : memref<!tpu.dma_semaphore, #tpu.memory_space<semaphore_mem>>) src(%dma_wait3A_949 : memref<100000x64xf32, #tpu.memory_space<hbm>>) dst(%dma_wait3A_944 : memref<128x64xf32, #tpu.memory_space<vmem>>)
      %add3A_950 = arith.constant 7 : i32
      %add3A_951 = arith.addi %mul3A_619, %add3A_950 : i32
      %mul3A_952 = arith.constant 128 : i32
      %mul3A_953 = arith.muli %add3A_951, %mul3A_952 : i32
      %add3A_954 = arith.addi %mul3A_2, %mul3A_953 : i32
      %dma_start3A_955 = arith.constant 896 : i32
      %dma_start3A_956 = arith.constant 0 : i32
      %dma_start3A_957 = tpu.memref_slice %arg6[%dma_start3A_955, %dma_start3A_956] : memref<1024x64xf32, #tpu.memory_space<vmem>> -> memref<128x64xf32, #tpu.memory_space<vmem>>
      %dma_start3A_958 = arith.constant 0 : i32
      %dma_start3A_959 = tpu.memref_slice %arg4[%add3A_954, %dma_start3A_958] : memref<819200x64xf32, #tpu.memory_space<hbm>> -> memref<128x64xf32, #tpu.memory_space<hbm>>
      %dma_start3A_960 = arith.constant 0 : i32
      %dma_start3A_961 = tpu.memref_slice %arg4[%add3A_954, %dma_start3A_960] : memref<819200x64xf32, #tpu.memory_space<hbm>> -> memref<128x64xf32, #tpu.memory_space<hbm>>
      %dma_start3A_962 = arith.constant 896 : i32
      %dma_start3A_963 = arith.constant 0 : i32
      %dma_start3A_964 = tpu.memref_slice %arg6[%dma_start3A_962, %dma_start3A_963] : memref<1024x64xf32, #tpu.memory_space<vmem>> -> memref<128x64xf32, #tpu.memory_space<vmem>>
      tpu.enqueue_dma source(%dma_start3A_964 : memref<128x64xf32, #tpu.memory_space<vmem>>) target(%dma_start3A_961 : memref<128x64xf32, #tpu.memory_space<hbm>>) target_semaphore(%arg22 : memref<!tpu.dma_semaphore, #tpu.memory_space<semaphore_mem>>)
      %dma_wait3A_965 = arith.constant 384 : i32
      %dma_wait3A_966 = arith.constant 0 : i32
      %dma_wait3A_967 = tpu.memref_slice %arg6[%dma_wait3A_965, %dma_wait3A_966] : memref<1024x64xf32, #tpu.memory_space<vmem>> -> memref<128x64xf32, #tpu.memory_space<vmem>>
      %dma_wait3A_968 = arith.constant 0 : i32
      %dma_wait3A_969 = tpu.memref_slice %arg4[%mul3A_2, %dma_wait3A_968] : memref<819200x64xf32, #tpu.memory_space<hbm>> -> memref<128x64xf32, #tpu.memory_space<hbm>>
      %dma_wait3A_970 = arith.constant 0 : i32
      %dma_wait3A_971 = tpu.memref_slice %arg4[%mul3A_2, %dma_wait3A_970] : memref<819200x64xf32, #tpu.memory_space<hbm>> -> memref<128x64xf32, #tpu.memory_space<hbm>>
      %dma_wait3A_972 = arith.constant 384 : i32
      %dma_wait3A_973 = arith.constant 0 : i32
      %dma_wait3A_974 = tpu.memref_slice %arg6[%dma_wait3A_972, %dma_wait3A_973] : memref<1024x64xf32, #tpu.memory_space<vmem>> -> memref<128x64xf32, #tpu.memory_space<vmem>>
      tpu.wait_dma2 semaphore(%arg18 : memref<!tpu.dma_semaphore, #tpu.memory_space<semaphore_mem>>) src(%dma_wait3A_974 : memref<128x64xf32, #tpu.memory_space<vmem>>) dst(%dma_wait3A_971 : memref<128x64xf32, #tpu.memory_space<hbm>>)
      %add3A_975 = arith.constant 7 : i32
      %add3A_976 = arith.addi %mul3A_619, %add3A_975 : i32
      %add3A_977 = arith.constant 4 : i32
      %add3A_978 = arith.addi %add3A_976, %add3A_977 : i32
      %mul3A_979 = arith.constant 128 : i32
      %mul3A_980 = arith.muli %add3A_978, %mul3A_979 : i32
      %dma_start3A_981 = arith.constant 384 : i32
      %dma_start3A_982 = arith.constant 0 : i32
      %dma_start3A_983 = tpu.memref_slice %arg6[%dma_start3A_981, %dma_start3A_982] : memref<1024x64xf32, #tpu.memory_space<vmem>> -> memref<128x64xf32, #tpu.memory_space<vmem>>
      %dma_start3A_984 = tpu.memref_slice %arg5[%mul3A_980] : memref<25600xi32, #tpu.memory_space<vmem>> -> memref<128xi32, #tpu.memory_space<vmem>>
      %dma_start3A_985 = arith.constant 0 : i32
      %dma_start3A_986 = arith.constant 0 : i32
      %dma_start3A_987 = tpu.memref_slice %arg2[%dma_start3A_985, %dma_start3A_986] : memref<100000x64xf32, #tpu.memory_space<hbm>> -> memref<100000x64xf32, #tpu.memory_space<hbm>>
      tpu.enqueue_indirect_dma source(%dma_start3A_987 : memref<100000x64xf32, #tpu.memory_space<hbm>>) target(%dma_start3A_983 : memref<128x64xf32, #tpu.memory_space<vmem>>) offsets(%dma_start3A_984 : memref<128xi32, #tpu.memory_space<vmem>>) semaphore(%arg10 : memref<!tpu.dma_semaphore, #tpu.memory_space<semaphore_mem>>)
    }
    %scan3A_300 = arith.constant 23 : i32
    %dma_wait3A_301 = arith.constant 0 : i32
    %dma_wait3A_302 = arith.constant 0 : i32
    %dma_wait3A_303 = tpu.memref_slice %arg6[%dma_wait3A_301, %dma_wait3A_302] : memref<1024x64xf32, #tpu.memory_space<vmem>> -> memref<128x64xf32, #tpu.memory_space<vmem>>
    %dma_wait3A_304 = arith.constant 0 : i32
    %dma_wait3A_305 = tpu.memref_slice %arg5[%dma_wait3A_304] : memref<25600xi32, #tpu.memory_space<vmem>> -> memref<128xi32, #tpu.memory_space<vmem>>
    %dma_wait3A_306 = arith.constant 0 : i32
    %dma_wait3A_307 = arith.constant 0 : i32
    %dma_wait3A_308 = tpu.memref_slice %arg2[%dma_wait3A_306, %dma_wait3A_307] : memref<100000x64xf32, #tpu.memory_space<hbm>> -> memref<100000x64xf32, #tpu.memory_space<hbm>>
    tpu.wait_indirect_dma semaphore(%arg7 : memref<!tpu.dma_semaphore, #tpu.memory_space<semaphore_mem>>) src(%dma_wait3A_308 : memref<100000x64xf32, #tpu.memory_space<hbm>>) dst(%dma_wait3A_303 : memref<128x64xf32, #tpu.memory_space<vmem>>)
    %add3A_309 = arith.constant 24576 : i32
    %add3A_310 = arith.addi %mul3A_2, %add3A_309 : i32
    %dma_start3A_311 = arith.constant 0 : i32
    %dma_start3A_312 = arith.constant 0 : i32
    %dma_start3A_313 = tpu.memref_slice %arg6[%dma_start3A_311, %dma_start3A_312] : memref<1024x64xf32, #tpu.memory_space<vmem>> -> memref<128x64xf32, #tpu.memory_space<vmem>>
    %dma_start3A_314 = arith.constant 0 : i32
    %dma_start3A_315 = tpu.memref_slice %arg4[%add3A_310, %dma_start3A_314] : memref<819200x64xf32, #tpu.memory_space<hbm>> -> memref<128x64xf32, #tpu.memory_space<hbm>>
    %dma_start3A_316 = arith.constant 0 : i32
    %dma_start3A_317 = tpu.memref_slice %arg4[%add3A_310, %dma_start3A_316] : memref<819200x64xf32, #tpu.memory_space<hbm>> -> memref<128x64xf32, #tpu.memory_space<hbm>>
    %dma_start3A_318 = arith.constant 0 : i32
    %dma_start3A_319 = arith.constant 0 : i32
    %dma_start3A_320 = tpu.memref_slice %arg6[%dma_start3A_318, %dma_start3A_319] : memref<1024x64xf32, #tpu.memory_space<vmem>> -> memref<128x64xf32, #tpu.memory_space<vmem>>
    tpu.enqueue_dma source(%dma_start3A_320 : memref<128x64xf32, #tpu.memory_space<vmem>>) target(%dma_start3A_317 : memref<128x64xf32, #tpu.memory_space<hbm>>) target_semaphore(%arg15 : memref<!tpu.dma_semaphore, #tpu.memory_space<semaphore_mem>>)
    %dma_wait3A_321 = arith.constant 512 : i32
    %dma_wait3A_322 = arith.constant 0 : i32
    %dma_wait3A_323 = tpu.memref_slice %arg6[%dma_wait3A_321, %dma_wait3A_322] : memref<1024x64xf32, #tpu.memory_space<vmem>> -> memref<128x64xf32, #tpu.memory_space<vmem>>
    %dma_wait3A_324 = arith.constant 0 : i32
    %dma_wait3A_325 = tpu.memref_slice %arg4[%mul3A_2, %dma_wait3A_324] : memref<819200x64xf32, #tpu.memory_space<hbm>> -> memref<128x64xf32, #tpu.memory_space<hbm>>
    %dma_wait3A_326 = arith.constant 0 : i32
    %dma_wait3A_327 = tpu.memref_slice %arg4[%mul3A_2, %dma_wait3A_326] : memref<819200x64xf32, #tpu.memory_space<hbm>> -> memref<128x64xf32, #tpu.memory_space<hbm>>
    %dma_wait3A_328 = arith.constant 512 : i32
    %dma_wait3A_329 = arith.constant 0 : i32
    %dma_wait3A_330 = tpu.memref_slice %arg6[%dma_wait3A_328, %dma_wait3A_329] : memref<1024x64xf32, #tpu.memory_space<vmem>> -> memref<128x64xf32, #tpu.memory_space<vmem>>
    tpu.wait_dma2 semaphore(%arg19 : memref<!tpu.dma_semaphore, #tpu.memory_space<semaphore_mem>>) src(%dma_wait3A_330 : memref<128x64xf32, #tpu.memory_space<vmem>>) dst(%dma_wait3A_327 : memref<128x64xf32, #tpu.memory_space<hbm>>)
    %dma_start3A_331 = arith.constant 512 : i32
    %dma_start3A_332 = arith.constant 0 : i32
    %dma_start3A_333 = tpu.memref_slice %arg6[%dma_start3A_331, %dma_start3A_332] : memref<1024x64xf32, #tpu.memory_space<vmem>> -> memref<128x64xf32, #tpu.memory_space<vmem>>
    %dma_start3A_334 = arith.constant 25088 : i32
    %dma_start3A_335 = tpu.memref_slice %arg5[%dma_start3A_334] : memref<25600xi32, #tpu.memory_space<vmem>> -> memref<128xi32, #tpu.memory_space<vmem>>
    %dma_start3A_336 = arith.constant 0 : i32
    %dma_start3A_337 = arith.constant 0 : i32
    %dma_start3A_338 = tpu.memref_slice %arg2[%dma_start3A_336, %dma_start3A_337] : memref<100000x64xf32, #tpu.memory_space<hbm>> -> memref<100000x64xf32, #tpu.memory_space<hbm>>
    tpu.enqueue_indirect_dma source(%dma_start3A_338 : memref<100000x64xf32, #tpu.memory_space<hbm>>) target(%dma_start3A_333 : memref<128x64xf32, #tpu.memory_space<vmem>>) offsets(%dma_start3A_335 : memref<128xi32, #tpu.memory_space<vmem>>) semaphore(%arg11 : memref<!tpu.dma_semaphore, #tpu.memory_space<semaphore_mem>>)
    %dma_wait3A_339 = arith.constant 128 : i32
    %dma_wait3A_340 = arith.constant 0 : i32
    %dma_wait3A_341 = tpu.memref_slice %arg6[%dma_wait3A_339, %dma_wait3A_340] : memref<1024x64xf32, #tpu.memory_space<vmem>> -> memref<128x64xf32, #tpu.memory_space<vmem>>
    %dma_wait3A_342 = arith.constant 0 : i32
    %dma_wait3A_343 = tpu.memref_slice %arg5[%dma_wait3A_342] : memref<25600xi32, #tpu.memory_space<vmem>> -> memref<128xi32, #tpu.memory_space<vmem>>
    %dma_wait3A_344 = arith.constant 0 : i32
    %dma_wait3A_345 = arith.constant 0 : i32
    %dma_wait3A_346 = tpu.memref_slice %arg2[%dma_wait3A_344, %dma_wait3A_345] : memref<100000x64xf32, #tpu.memory_space<hbm>> -> memref<100000x64xf32, #tpu.memory_space<hbm>>
    tpu.wait_indirect_dma semaphore(%arg8 : memref<!tpu.dma_semaphore, #tpu.memory_space<semaphore_mem>>) src(%dma_wait3A_346 : memref<100000x64xf32, #tpu.memory_space<hbm>>) dst(%dma_wait3A_341 : memref<128x64xf32, #tpu.memory_space<vmem>>)
    %add3A_347 = arith.constant 24704 : i32
    %add3A_348 = arith.addi %mul3A_2, %add3A_347 : i32
    %dma_start3A_349 = arith.constant 128 : i32
    %dma_start3A_350 = arith.constant 0 : i32
    %dma_start3A_351 = tpu.memref_slice %arg6[%dma_start3A_349, %dma_start3A_350] : memref<1024x64xf32, #tpu.memory_space<vmem>> -> memref<128x64xf32, #tpu.memory_space<vmem>>
    %dma_start3A_352 = arith.constant 0 : i32
    %dma_start3A_353 = tpu.memref_slice %arg4[%add3A_348, %dma_start3A_352] : memref<819200x64xf32, #tpu.memory_space<hbm>> -> memref<128x64xf32, #tpu.memory_space<hbm>>
    %dma_start3A_354 = arith.constant 0 : i32
    %dma_start3A_355 = tpu.memref_slice %arg4[%add3A_348, %dma_start3A_354] : memref<819200x64xf32, #tpu.memory_space<hbm>> -> memref<128x64xf32, #tpu.memory_space<hbm>>
    %dma_start3A_356 = arith.constant 128 : i32
    %dma_start3A_357 = arith.constant 0 : i32
    %dma_start3A_358 = tpu.memref_slice %arg6[%dma_start3A_356, %dma_start3A_357] : memref<1024x64xf32, #tpu.memory_space<vmem>> -> memref<128x64xf32, #tpu.memory_space<vmem>>
    tpu.enqueue_dma source(%dma_start3A_358 : memref<128x64xf32, #tpu.memory_space<vmem>>) target(%dma_start3A_355 : memref<128x64xf32, #tpu.memory_space<hbm>>) target_semaphore(%arg16 : memref<!tpu.dma_semaphore, #tpu.memory_space<semaphore_mem>>)
    %dma_wait3A_359 = arith.constant 640 : i32
    %dma_wait3A_360 = arith.constant 0 : i32
    %dma_wait3A_361 = tpu.memref_slice %arg6[%dma_wait3A_359, %dma_wait3A_360] : memref<1024x64xf32, #tpu.memory_space<vmem>> -> memref<128x64xf32, #tpu.memory_space<vmem>>
    %dma_wait3A_362 = arith.constant 0 : i32
    %dma_wait3A_363 = tpu.memref_slice %arg4[%mul3A_2, %dma_wait3A_362] : memref<819200x64xf32, #tpu.memory_space<hbm>> -> memref<128x64xf32, #tpu.memory_space<hbm>>
    %dma_wait3A_364 = arith.constant 0 : i32
    %dma_wait3A_365 = tpu.memref_slice %arg4[%mul3A_2, %dma_wait3A_364] : memref<819200x64xf32, #tpu.memory_space<hbm>> -> memref<128x64xf32, #tpu.memory_space<hbm>>
    %dma_wait3A_366 = arith.constant 640 : i32
    %dma_wait3A_367 = arith.constant 0 : i32
    %dma_wait3A_368 = tpu.memref_slice %arg6[%dma_wait3A_366, %dma_wait3A_367] : memref<1024x64xf32, #tpu.memory_space<vmem>> -> memref<128x64xf32, #tpu.memory_space<vmem>>
    tpu.wait_dma2 semaphore(%arg20 : memref<!tpu.dma_semaphore, #tpu.memory_space<semaphore_mem>>) src(%dma_wait3A_368 : memref<128x64xf32, #tpu.memory_space<vmem>>) dst(%dma_wait3A_365 : memref<128x64xf32, #tpu.memory_space<hbm>>)
    %dma_start3A_369 = arith.constant 640 : i32
    %dma_start3A_370 = arith.constant 0 : i32
    %dma_start3A_371 = tpu.memref_slice %arg6[%dma_start3A_369, %dma_start3A_370] : memref<1024x64xf32, #tpu.memory_space<vmem>> -> memref<128x64xf32, #tpu.memory_space<vmem>>
    %dma_start3A_372 = arith.constant 25216 : i32
    %dma_start3A_373 = tpu.memref_slice %arg5[%dma_start3A_372] : memref<25600xi32, #tpu.memory_space<vmem>> -> memref<128xi32, #tpu.memory_space<vmem>>
    %dma_start3A_374 = arith.constant 0 : i32
    %dma_start3A_375 = arith.constant 0 : i32
    %dma_start3A_376 = tpu.memref_slice %arg2[%dma_start3A_374, %dma_start3A_375] : memref<100000x64xf32, #tpu.memory_space<hbm>> -> memref<100000x64xf32, #tpu.memory_space<hbm>>
    tpu.enqueue_indirect_dma source(%dma_start3A_376 : memref<100000x64xf32, #tpu.memory_space<hbm>>) target(%dma_start3A_371 : memref<128x64xf32, #tpu.memory_space<vmem>>) offsets(%dma_start3A_373 : memref<128xi32, #tpu.memory_space<vmem>>) semaphore(%arg12 : memref<!tpu.dma_semaphore, #tpu.memory_space<semaphore_mem>>)
    %dma_wait3A_377 = arith.constant 256 : i32
    %dma_wait3A_378 = arith.constant 0 : i32
    %dma_wait3A_379 = tpu.memref_slice %arg6[%dma_wait3A_377, %dma_wait3A_378] : memref<1024x64xf32, #tpu.memory_space<vmem>> -> memref<128x64xf32, #tpu.memory_space<vmem>>
    %dma_wait3A_380 = arith.constant 0 : i32
    %dma_wait3A_381 = tpu.memref_slice %arg5[%dma_wait3A_380] : memref<25600xi32, #tpu.memory_space<vmem>> -> memref<128xi32, #tpu.memory_space<vmem>>
    %dma_wait3A_382 = arith.constant 0 : i32
    %dma_wait3A_383 = arith.constant 0 : i32
    %dma_wait3A_384 = tpu.memref_slice %arg2[%dma_wait3A_382, %dma_wait3A_383] : memref<100000x64xf32, #tpu.memory_space<hbm>> -> memref<100000x64xf32, #tpu.memory_space<hbm>>
    tpu.wait_indirect_dma semaphore(%arg9 : memref<!tpu.dma_semaphore, #tpu.memory_space<semaphore_mem>>) src(%dma_wait3A_384 : memref<100000x64xf32, #tpu.memory_space<hbm>>) dst(%dma_wait3A_379 : memref<128x64xf32, #tpu.memory_space<vmem>>)
    %add3A_385 = arith.constant 24832 : i32
    %add3A_386 = arith.addi %mul3A_2, %add3A_385 : i32
    %dma_start3A_387 = arith.constant 256 : i32
    %dma_start3A_388 = arith.constant 0 : i32
    %dma_start3A_389 = tpu.memref_slice %arg6[%dma_start3A_387, %dma_start3A_388] : memref<1024x64xf32, #tpu.memory_space<vmem>> -> memref<128x64xf32, #tpu.memory_space<vmem>>
    %dma_start3A_390 = arith.constant 0 : i32
    %dma_start3A_391 = tpu.memref_slice %arg4[%add3A_386, %dma_start3A_390] : memref<819200x64xf32, #tpu.memory_space<hbm>> -> memref<128x64xf32, #tpu.memory_space<hbm>>
    %dma_start3A_392 = arith.constant 0 : i32
    %dma_start3A_393 = tpu.memref_slice %arg4[%add3A_386, %dma_start3A_392] : memref<819200x64xf32, #tpu.memory_space<hbm>> -> memref<128x64xf32, #tpu.memory_space<hbm>>
    %dma_start3A_394 = arith.constant 256 : i32
    %dma_start3A_395 = arith.constant 0 : i32
    %dma_start3A_396 = tpu.memref_slice %arg6[%dma_start3A_394, %dma_start3A_395] : memref<1024x64xf32, #tpu.memory_space<vmem>> -> memref<128x64xf32, #tpu.memory_space<vmem>>
    tpu.enqueue_dma source(%dma_start3A_396 : memref<128x64xf32, #tpu.memory_space<vmem>>) target(%dma_start3A_393 : memref<128x64xf32, #tpu.memory_space<hbm>>) target_semaphore(%arg17 : memref<!tpu.dma_semaphore, #tpu.memory_space<semaphore_mem>>)
    %dma_wait3A_397 = arith.constant 768 : i32
    %dma_wait3A_398 = arith.constant 0 : i32
    %dma_wait3A_399 = tpu.memref_slice %arg6[%dma_wait3A_397, %dma_wait3A_398] : memref<1024x64xf32, #tpu.memory_space<vmem>> -> memref<128x64xf32, #tpu.memory_space<vmem>>
    %dma_wait3A_400 = arith.constant 0 : i32
    %dma_wait3A_401 = tpu.memref_slice %arg4[%mul3A_2, %dma_wait3A_400] : memref<819200x64xf32, #tpu.memory_space<hbm>> -> memref<128x64xf32, #tpu.memory_space<hbm>>
    %dma_wait3A_402 = arith.constant 0 : i32
    %dma_wait3A_403 = tpu.memref_slice %arg4[%mul3A_2, %dma_wait3A_402] : memref<819200x64xf32, #tpu.memory_space<hbm>> -> memref<128x64xf32, #tpu.memory_space<hbm>>
    %dma_wait3A_404 = arith.constant 768 : i32
    %dma_wait3A_405 = arith.constant 0 : i32
    %dma_wait3A_406 = tpu.memref_slice %arg6[%dma_wait3A_404, %dma_wait3A_405] : memref<1024x64xf32, #tpu.memory_space<vmem>> -> memref<128x64xf32, #tpu.memory_space<vmem>>
    tpu.wait_dma2 semaphore(%arg21 : memref<!tpu.dma_semaphore, #tpu.memory_space<semaphore_mem>>) src(%dma_wait3A_406 : memref<128x64xf32, #tpu.memory_space<vmem>>) dst(%dma_wait3A_403 : memref<128x64xf32, #tpu.memory_space<hbm>>)
    %dma_start3A_407 = arith.constant 768 : i32
    %dma_start3A_408 = arith.constant 0 : i32
    %dma_start3A_409 = tpu.memref_slice %arg6[%dma_start3A_407, %dma_start3A_408] : memref<1024x64xf32, #tpu.memory_space<vmem>> -> memref<128x64xf32, #tpu.memory_space<vmem>>
    %dma_start3A_410 = arith.constant 25344 : i32
    %dma_start3A_411 = tpu.memref_slice %arg5[%dma_start3A_410] : memref<25600xi32, #tpu.memory_space<vmem>> -> memref<128xi32, #tpu.memory_space<vmem>>
    %dma_start3A_412 = arith.constant 0 : i32
    %dma_start3A_413 = arith.constant 0 : i32
    %dma_start3A_414 = tpu.memref_slice %arg2[%dma_start3A_412, %dma_start3A_413] : memref<100000x64xf32, #tpu.memory_space<hbm>> -> memref<100000x64xf32, #tpu.memory_space<hbm>>
    tpu.enqueue_indirect_dma source(%dma_start3A_414 : memref<100000x64xf32, #tpu.memory_space<hbm>>) target(%dma_start3A_409 : memref<128x64xf32, #tpu.memory_space<vmem>>) offsets(%dma_start3A_411 : memref<128xi32, #tpu.memory_space<vmem>>) semaphore(%arg13 : memref<!tpu.dma_semaphore, #tpu.memory_space<semaphore_mem>>)
    %dma_wait3A_415 = arith.constant 384 : i32
    %dma_wait3A_416 = arith.constant 0 : i32
    %dma_wait3A_417 = tpu.memref_slice %arg6[%dma_wait3A_415, %dma_wait3A_416] : memref<1024x64xf32, #tpu.memory_space<vmem>> -> memref<128x64xf32, #tpu.memory_space<vmem>>
    %dma_wait3A_418 = arith.constant 0 : i32
    %dma_wait3A_419 = tpu.memref_slice %arg5[%dma_wait3A_418] : memref<25600xi32, #tpu.memory_space<vmem>> -> memref<128xi32, #tpu.memory_space<vmem>>
    %dma_wait3A_420 = arith.constant 0 : i32
    %dma_wait3A_421 = arith.constant 0 : i32
    %dma_wait3A_422 = tpu.memref_slice %arg2[%dma_wait3A_420, %dma_wait3A_421] : memref<100000x64xf32, #tpu.memory_space<hbm>> -> memref<100000x64xf32, #tpu.memory_space<hbm>>
    tpu.wait_indirect_dma semaphore(%arg10 : memref<!tpu.dma_semaphore, #tpu.memory_space<semaphore_mem>>) src(%dma_wait3A_422 : memref<100000x64xf32, #tpu.memory_space<hbm>>) dst(%dma_wait3A_417 : memref<128x64xf32, #tpu.memory_space<vmem>>)
    %add3A_423 = arith.constant 24960 : i32
    %add3A_424 = arith.addi %mul3A_2, %add3A_423 : i32
    %dma_start3A_425 = arith.constant 384 : i32
    %dma_start3A_426 = arith.constant 0 : i32
    %dma_start3A_427 = tpu.memref_slice %arg6[%dma_start3A_425, %dma_start3A_426] : memref<1024x64xf32, #tpu.memory_space<vmem>> -> memref<128x64xf32, #tpu.memory_space<vmem>>
    %dma_start3A_428 = arith.constant 0 : i32
    %dma_start3A_429 = tpu.memref_slice %arg4[%add3A_424, %dma_start3A_428] : memref<819200x64xf32, #tpu.memory_space<hbm>> -> memref<128x64xf32, #tpu.memory_space<hbm>>
    %dma_start3A_430 = arith.constant 0 : i32
    %dma_start3A_431 = tpu.memref_slice %arg4[%add3A_424, %dma_start3A_430] : memref<819200x64xf32, #tpu.memory_space<hbm>> -> memref<128x64xf32, #tpu.memory_space<hbm>>
    %dma_start3A_432 = arith.constant 384 : i32
    %dma_start3A_433 = arith.constant 0 : i32
    %dma_start3A_434 = tpu.memref_slice %arg6[%dma_start3A_432, %dma_start3A_433] : memref<1024x64xf32, #tpu.memory_space<vmem>> -> memref<128x64xf32, #tpu.memory_space<vmem>>
    tpu.enqueue_dma source(%dma_start3A_434 : memref<128x64xf32, #tpu.memory_space<vmem>>) target(%dma_start3A_431 : memref<128x64xf32, #tpu.memory_space<hbm>>) target_semaphore(%arg18 : memref<!tpu.dma_semaphore, #tpu.memory_space<semaphore_mem>>)
    %dma_wait3A_435 = arith.constant 896 : i32
    %dma_wait3A_436 = arith.constant 0 : i32
    %dma_wait3A_437 = tpu.memref_slice %arg6[%dma_wait3A_435, %dma_wait3A_436] : memref<1024x64xf32, #tpu.memory_space<vmem>> -> memref<128x64xf32, #tpu.memory_space<vmem>>
    %dma_wait3A_438 = arith.constant 0 : i32
    %dma_wait3A_439 = tpu.memref_slice %arg4[%mul3A_2, %dma_wait3A_438] : memref<819200x64xf32, #tpu.memory_space<hbm>> -> memref<128x64xf32, #tpu.memory_space<hbm>>
    %dma_wait3A_440 = arith.constant 0 : i32
    %dma_wait3A_441 = tpu.memref_slice %arg4[%mul3A_2, %dma_wait3A_440] : memref<819200x64xf32, #tpu.memory_space<hbm>> -> memref<128x64xf32, #tpu.memory_space<hbm>>
    %dma_wait3A_442 = arith.constant 896 : i32
    %dma_wait3A_443 = arith.constant 0 : i32
    %dma_wait3A_444 = tpu.memref_slice %arg6[%dma_wait3A_442, %dma_wait3A_443] : memref<1024x64xf32, #tpu.memory_space<vmem>> -> memref<128x64xf32, #tpu.memory_space<vmem>>
    tpu.wait_dma2 semaphore(%arg22 : memref<!tpu.dma_semaphore, #tpu.memory_space<semaphore_mem>>) src(%dma_wait3A_444 : memref<128x64xf32, #tpu.memory_space<vmem>>) dst(%dma_wait3A_441 : memref<128x64xf32, #tpu.memory_space<hbm>>)
    %dma_start3A_445 = arith.constant 896 : i32
    %dma_start3A_446 = arith.constant 0 : i32
    %dma_start3A_447 = tpu.memref_slice %arg6[%dma_start3A_445, %dma_start3A_446] : memref<1024x64xf32, #tpu.memory_space<vmem>> -> memref<128x64xf32, #tpu.memory_space<vmem>>
    %dma_start3A_448 = arith.constant 25472 : i32
    %dma_start3A_449 = tpu.memref_slice %arg5[%dma_start3A_448] : memref<25600xi32, #tpu.memory_space<vmem>> -> memref<128xi32, #tpu.memory_space<vmem>>
    %dma_start3A_450 = arith.constant 0 : i32
    %dma_start3A_451 = arith.constant 0 : i32
    %dma_start3A_452 = tpu.memref_slice %arg2[%dma_start3A_450, %dma_start3A_451] : memref<100000x64xf32, #tpu.memory_space<hbm>> -> memref<100000x64xf32, #tpu.memory_space<hbm>>
    tpu.enqueue_indirect_dma source(%dma_start3A_452 : memref<100000x64xf32, #tpu.memory_space<hbm>>) target(%dma_start3A_447 : memref<128x64xf32, #tpu.memory_space<vmem>>) offsets(%dma_start3A_449 : memref<128xi32, #tpu.memory_space<vmem>>) semaphore(%arg14 : memref<!tpu.dma_semaphore, #tpu.memory_space<semaphore_mem>>)
    %dma_wait3A_453 = arith.constant 512 : i32
    %dma_wait3A_454 = arith.constant 0 : i32
    %dma_wait3A_455 = tpu.memref_slice %arg6[%dma_wait3A_453, %dma_wait3A_454] : memref<1024x64xf32, #tpu.memory_space<vmem>> -> memref<128x64xf32, #tpu.memory_space<vmem>>
    %dma_wait3A_456 = arith.constant 0 : i32
    %dma_wait3A_457 = tpu.memref_slice %arg5[%dma_wait3A_456] : memref<25600xi32, #tpu.memory_space<vmem>> -> memref<128xi32, #tpu.memory_space<vmem>>
    %dma_wait3A_458 = arith.constant 0 : i32
    %dma_wait3A_459 = arith.constant 0 : i32
    %dma_wait3A_460 = tpu.memref_slice %arg2[%dma_wait3A_458, %dma_wait3A_459] : memref<100000x64xf32, #tpu.memory_space<hbm>> -> memref<100000x64xf32, #tpu.memory_space<hbm>>
    tpu.wait_indirect_dma semaphore(%arg11 : memref<!tpu.dma_semaphore, #tpu.memory_space<semaphore_mem>>) src(%dma_wait3A_460 : memref<100000x64xf32, #tpu.memory_space<hbm>>) dst(%dma_wait3A_455 : memref<128x64xf32, #tpu.memory_space<vmem>>)
    %add3A_461 = arith.constant 25088 : i32
    %add3A_462 = arith.addi %mul3A_2, %add3A_461 : i32
    %dma_start3A_463 = arith.constant 512 : i32
    %dma_start3A_464 = arith.constant 0 : i32
    %dma_start3A_465 = tpu.memref_slice %arg6[%dma_start3A_463, %dma_start3A_464] : memref<1024x64xf32, #tpu.memory_space<vmem>> -> memref<128x64xf32, #tpu.memory_space<vmem>>
    %dma_start3A_466 = arith.constant 0 : i32
    %dma_start3A_467 = tpu.memref_slice %arg4[%add3A_462, %dma_start3A_466] : memref<819200x64xf32, #tpu.memory_space<hbm>> -> memref<128x64xf32, #tpu.memory_space<hbm>>
    %dma_start3A_468 = arith.constant 0 : i32
    %dma_start3A_469 = tpu.memref_slice %arg4[%add3A_462, %dma_start3A_468] : memref<819200x64xf32, #tpu.memory_space<hbm>> -> memref<128x64xf32, #tpu.memory_space<hbm>>
    %dma_start3A_470 = arith.constant 512 : i32
    %dma_start3A_471 = arith.constant 0 : i32
    %dma_start3A_472 = tpu.memref_slice %arg6[%dma_start3A_470, %dma_start3A_471] : memref<1024x64xf32, #tpu.memory_space<vmem>> -> memref<128x64xf32, #tpu.memory_space<vmem>>
    tpu.enqueue_dma source(%dma_start3A_472 : memref<128x64xf32, #tpu.memory_space<vmem>>) target(%dma_start3A_469 : memref<128x64xf32, #tpu.memory_space<hbm>>) target_semaphore(%arg19 : memref<!tpu.dma_semaphore, #tpu.memory_space<semaphore_mem>>)
    %dma_wait3A_473 = arith.constant 0 : i32
    %dma_wait3A_474 = arith.constant 0 : i32
    %dma_wait3A_475 = tpu.memref_slice %arg6[%dma_wait3A_473, %dma_wait3A_474] : memref<1024x64xf32, #tpu.memory_space<vmem>> -> memref<128x64xf32, #tpu.memory_space<vmem>>
    %dma_wait3A_476 = arith.constant 0 : i32
    %dma_wait3A_477 = tpu.memref_slice %arg4[%mul3A_2, %dma_wait3A_476] : memref<819200x64xf32, #tpu.memory_space<hbm>> -> memref<128x64xf32, #tpu.memory_space<hbm>>
    %dma_wait3A_478 = arith.constant 0 : i32
    %dma_wait3A_479 = tpu.memref_slice %arg4[%mul3A_2, %dma_wait3A_478] : memref<819200x64xf32, #tpu.memory_space<hbm>> -> memref<128x64xf32, #tpu.memory_space<hbm>>
    %dma_wait3A_480 = arith.constant 0 : i32
    %dma_wait3A_481 = arith.constant 0 : i32
    %dma_wait3A_482 = tpu.memref_slice %arg6[%dma_wait3A_480, %dma_wait3A_481] : memref<1024x64xf32, #tpu.memory_space<vmem>> -> memref<128x64xf32, #tpu.memory_space<vmem>>
    tpu.wait_dma2 semaphore(%arg15 : memref<!tpu.dma_semaphore, #tpu.memory_space<semaphore_mem>>) src(%dma_wait3A_482 : memref<128x64xf32, #tpu.memory_space<vmem>>) dst(%dma_wait3A_479 : memref<128x64xf32, #tpu.memory_space<hbm>>)
    %dma_wait3A_483 = arith.constant 640 : i32
    %dma_wait3A_484 = arith.constant 0 : i32
    %dma_wait3A_485 = tpu.memref_slice %arg6[%dma_wait3A_483, %dma_wait3A_484] : memref<1024x64xf32, #tpu.memory_space<vmem>> -> memref<128x64xf32, #tpu.memory_space<vmem>>
    %dma_wait3A_486 = arith.constant 0 : i32
    %dma_wait3A_487 = tpu.memref_slice %arg5[%dma_wait3A_486] : memref<25600xi32, #tpu.memory_space<vmem>> -> memref<128xi32, #tpu.memory_space<vmem>>
    %dma_wait3A_488 = arith.constant 0 : i32
    %dma_wait3A_489 = arith.constant 0 : i32
    %dma_wait3A_490 = tpu.memref_slice %arg2[%dma_wait3A_488, %dma_wait3A_489] : memref<100000x64xf32, #tpu.memory_space<hbm>> -> memref<100000x64xf32, #tpu.memory_space<hbm>>
    tpu.wait_indirect_dma semaphore(%arg12 : memref<!tpu.dma_semaphore, #tpu.memory_space<semaphore_mem>>) src(%dma_wait3A_490 : memref<100000x64xf32, #tpu.memory_space<hbm>>) dst(%dma_wait3A_485 : memref<128x64xf32, #tpu.memory_space<vmem>>)
    %add3A_491 = arith.constant 25216 : i32
    %add3A_492 = arith.addi %mul3A_2, %add3A_491 : i32
    %dma_start3A_493 = arith.constant 640 : i32
    %dma_start3A_494 = arith.constant 0 : i32
    %dma_start3A_495 = tpu.memref_slice %arg6[%dma_start3A_493, %dma_start3A_494] : memref<1024x64xf32, #tpu.memory_space<vmem>> -> memref<128x64xf32, #tpu.memory_space<vmem>>
    %dma_start3A_496 = arith.constant 0 : i32
    %dma_start3A_497 = tpu.memref_slice %arg4[%add3A_492, %dma_start3A_496] : memref<819200x64xf32, #tpu.memory_space<hbm>> -> memref<128x64xf32, #tpu.memory_space<hbm>>
    %dma_start3A_498 = arith.constant 0 : i32
    %dma_start3A_499 = tpu.memref_slice %arg4[%add3A_492, %dma_start3A_498] : memref<819200x64xf32, #tpu.memory_space<hbm>> -> memref<128x64xf32, #tpu.memory_space<hbm>>
    %dma_start3A_500 = arith.constant 640 : i32
    %dma_start3A_501 = arith.constant 0 : i32
    %dma_start3A_502 = tpu.memref_slice %arg6[%dma_start3A_500, %dma_start3A_501] : memref<1024x64xf32, #tpu.memory_space<vmem>> -> memref<128x64xf32, #tpu.memory_space<vmem>>
    tpu.enqueue_dma source(%dma_start3A_502 : memref<128x64xf32, #tpu.memory_space<vmem>>) target(%dma_start3A_499 : memref<128x64xf32, #tpu.memory_space<hbm>>) target_semaphore(%arg20 : memref<!tpu.dma_semaphore, #tpu.memory_space<semaphore_mem>>)
    %dma_wait3A_503 = arith.constant 128 : i32
    %dma_wait3A_504 = arith.constant 0 : i32
    %dma_wait3A_505 = tpu.memref_slice %arg6[%dma_wait3A_503, %dma_wait3A_504] : memref<1024x64xf32, #tpu.memory_space<vmem>> -> memref<128x64xf32, #tpu.memory_space<vmem>>
    %dma_wait3A_506 = arith.constant 0 : i32
    %dma_wait3A_507 = tpu.memref_slice %arg4[%mul3A_2, %dma_wait3A_506] : memref<819200x64xf32, #tpu.memory_space<hbm>> -> memref<128x64xf32, #tpu.memory_space<hbm>>
    %dma_wait3A_508 = arith.constant 0 : i32
    %dma_wait3A_509 = tpu.memref_slice %arg4[%mul3A_2, %dma_wait3A_508] : memref<819200x64xf32, #tpu.memory_space<hbm>> -> memref<128x64xf32, #tpu.memory_space<hbm>>
    %dma_wait3A_510 = arith.constant 128 : i32
    %dma_wait3A_511 = arith.constant 0 : i32
    %dma_wait3A_512 = tpu.memref_slice %arg6[%dma_wait3A_510, %dma_wait3A_511] : memref<1024x64xf32, #tpu.memory_space<vmem>> -> memref<128x64xf32, #tpu.memory_space<vmem>>
    tpu.wait_dma2 semaphore(%arg16 : memref<!tpu.dma_semaphore, #tpu.memory_space<semaphore_mem>>) src(%dma_wait3A_512 : memref<128x64xf32, #tpu.memory_space<vmem>>) dst(%dma_wait3A_509 : memref<128x64xf32, #tpu.memory_space<hbm>>)
    %dma_wait3A_513 = arith.constant 768 : i32
    %dma_wait3A_514 = arith.constant 0 : i32
    %dma_wait3A_515 = tpu.memref_slice %arg6[%dma_wait3A_513, %dma_wait3A_514] : memref<1024x64xf32, #tpu.memory_space<vmem>> -> memref<128x64xf32, #tpu.memory_space<vmem>>
    %dma_wait3A_516 = arith.constant 0 : i32
    %dma_wait3A_517 = tpu.memref_slice %arg5[%dma_wait3A_516] : memref<25600xi32, #tpu.memory_space<vmem>> -> memref<128xi32, #tpu.memory_space<vmem>>
    %dma_wait3A_518 = arith.constant 0 : i32
    %dma_wait3A_519 = arith.constant 0 : i32
    %dma_wait3A_520 = tpu.memref_slice %arg2[%dma_wait3A_518, %dma_wait3A_519] : memref<100000x64xf32, #tpu.memory_space<hbm>> -> memref<100000x64xf32, #tpu.memory_space<hbm>>
    tpu.wait_indirect_dma semaphore(%arg13 : memref<!tpu.dma_semaphore, #tpu.memory_space<semaphore_mem>>) src(%dma_wait3A_520 : memref<100000x64xf32, #tpu.memory_space<hbm>>) dst(%dma_wait3A_515 : memref<128x64xf32, #tpu.memory_space<vmem>>)
    %add3A_521 = arith.constant 25344 : i32
    %add3A_522 = arith.addi %mul3A_2, %add3A_521 : i32
    %dma_start3A_523 = arith.constant 768 : i32
    %dma_start3A_524 = arith.constant 0 : i32
    %dma_start3A_525 = tpu.memref_slice %arg6[%dma_start3A_523, %dma_start3A_524] : memref<1024x64xf32, #tpu.memory_space<vmem>> -> memref<128x64xf32, #tpu.memory_space<vmem>>
    %dma_start3A_526 = arith.constant 0 : i32
    %dma_start3A_527 = tpu.memref_slice %arg4[%add3A_522, %dma_start3A_526] : memref<819200x64xf32, #tpu.memory_space<hbm>> -> memref<128x64xf32, #tpu.memory_space<hbm>>
    %dma_start3A_528 = arith.constant 0 : i32
    %dma_start3A_529 = tpu.memref_slice %arg4[%add3A_522, %dma_start3A_528] : memref<819200x64xf32, #tpu.memory_space<hbm>> -> memref<128x64xf32, #tpu.memory_space<hbm>>
    %dma_start3A_530 = arith.constant 768 : i32
    %dma_start3A_531 = arith.constant 0 : i32
    %dma_start3A_532 = tpu.memref_slice %arg6[%dma_start3A_530, %dma_start3A_531] : memref<1024x64xf32, #tpu.memory_space<vmem>> -> memref<128x64xf32, #tpu.memory_space<vmem>>
    tpu.enqueue_dma source(%dma_start3A_532 : memref<128x64xf32, #tpu.memory_space<vmem>>) target(%dma_start3A_529 : memref<128x64xf32, #tpu.memory_space<hbm>>) target_semaphore(%arg21 : memref<!tpu.dma_semaphore, #tpu.memory_space<semaphore_mem>>)
    %dma_wait3A_533 = arith.constant 256 : i32
    %dma_wait3A_534 = arith.constant 0 : i32
    %dma_wait3A_535 = tpu.memref_slice %arg6[%dma_wait3A_533, %dma_wait3A_534] : memref<1024x64xf32, #tpu.memory_space<vmem>> -> memref<128x64xf32, #tpu.memory_space<vmem>>
    %dma_wait3A_536 = arith.constant 0 : i32
    %dma_wait3A_537 = tpu.memref_slice %arg4[%mul3A_2, %dma_wait3A_536] : memref<819200x64xf32, #tpu.memory_space<hbm>> -> memref<128x64xf32, #tpu.memory_space<hbm>>
    %dma_wait3A_538 = arith.constant 0 : i32
    %dma_wait3A_539 = tpu.memref_slice %arg4[%mul3A_2, %dma_wait3A_538] : memref<819200x64xf32, #tpu.memory_space<hbm>> -> memref<128x64xf32, #tpu.memory_space<hbm>>
    %dma_wait3A_540 = arith.constant 256 : i32
    %dma_wait3A_541 = arith.constant 0 : i32
    %dma_wait3A_542 = tpu.memref_slice %arg6[%dma_wait3A_540, %dma_wait3A_541] : memref<1024x64xf32, #tpu.memory_space<vmem>> -> memref<128x64xf32, #tpu.memory_space<vmem>>
    tpu.wait_dma2 semaphore(%arg17 : memref<!tpu.dma_semaphore, #tpu.memory_space<semaphore_mem>>) src(%dma_wait3A_542 : memref<128x64xf32, #tpu.memory_space<vmem>>) dst(%dma_wait3A_539 : memref<128x64xf32, #tpu.memory_space<hbm>>)
    %dma_wait3A_543 = arith.constant 896 : i32
    %dma_wait3A_544 = arith.constant 0 : i32
    %dma_wait3A_545 = tpu.memref_slice %arg6[%dma_wait3A_543, %dma_wait3A_544] : memref<1024x64xf32, #tpu.memory_space<vmem>> -> memref<128x64xf32, #tpu.memory_space<vmem>>
    %dma_wait3A_546 = arith.constant 0 : i32
    %dma_wait3A_547 = tpu.memref_slice %arg5[%dma_wait3A_546] : memref<25600xi32, #tpu.memory_space<vmem>> -> memref<128xi32, #tpu.memory_space<vmem>>
    %dma_wait3A_548 = arith.constant 0 : i32
    %dma_wait3A_549 = arith.constant 0 : i32
    %dma_wait3A_550 = tpu.memref_slice %arg2[%dma_wait3A_548, %dma_wait3A_549] : memref<100000x64xf32, #tpu.memory_space<hbm>> -> memref<100000x64xf32, #tpu.memory_space<hbm>>
    tpu.wait_indirect_dma semaphore(%arg14 : memref<!tpu.dma_semaphore, #tpu.memory_space<semaphore_mem>>) src(%dma_wait3A_550 : memref<100000x64xf32, #tpu.memory_space<hbm>>) dst(%dma_wait3A_545 : memref<128x64xf32, #tpu.memory_space<vmem>>)
    %add3A_551 = arith.constant 25472 : i32
    %add3A_552 = arith.addi %mul3A_2, %add3A_551 : i32
    %dma_start3A_553 = arith.constant 896 : i32
    %dma_start3A_554 = arith.constant 0 : i32
    %dma_start3A_555 = tpu.memref_slice %arg6[%dma_start3A_553, %dma_start3A_554] : memref<1024x64xf32, #tpu.memory_space<vmem>> -> memref<128x64xf32, #tpu.memory_space<vmem>>
    %dma_start3A_556 = arith.constant 0 : i32
    %dma_start3A_557 = tpu.memref_slice %arg4[%add3A_552, %dma_start3A_556] : memref<819200x64xf32, #tpu.memory_space<hbm>> -> memref<128x64xf32, #tpu.memory_space<hbm>>
    %dma_start3A_558 = arith.constant 0 : i32
    %dma_start3A_559 = tpu.memref_slice %arg4[%add3A_552, %dma_start3A_558] : memref<819200x64xf32, #tpu.memory_space<hbm>> -> memref<128x64xf32, #tpu.memory_space<hbm>>
    %dma_start3A_560 = arith.constant 896 : i32
    %dma_start3A_561 = arith.constant 0 : i32
    %dma_start3A_562 = tpu.memref_slice %arg6[%dma_start3A_560, %dma_start3A_561] : memref<1024x64xf32, #tpu.memory_space<vmem>> -> memref<128x64xf32, #tpu.memory_space<vmem>>
    tpu.enqueue_dma source(%dma_start3A_562 : memref<128x64xf32, #tpu.memory_space<vmem>>) target(%dma_start3A_559 : memref<128x64xf32, #tpu.memory_space<hbm>>) target_semaphore(%arg22 : memref<!tpu.dma_semaphore, #tpu.memory_space<semaphore_mem>>)
    %dma_wait3A_563 = arith.constant 384 : i32
    %dma_wait3A_564 = arith.constant 0 : i32
    %dma_wait3A_565 = tpu.memref_slice %arg6[%dma_wait3A_563, %dma_wait3A_564] : memref<1024x64xf32, #tpu.memory_space<vmem>> -> memref<128x64xf32, #tpu.memory_space<vmem>>
    %dma_wait3A_566 = arith.constant 0 : i32
    %dma_wait3A_567 = tpu.memref_slice %arg4[%mul3A_2, %dma_wait3A_566] : memref<819200x64xf32, #tpu.memory_space<hbm>> -> memref<128x64xf32, #tpu.memory_space<hbm>>
    %dma_wait3A_568 = arith.constant 0 : i32
    %dma_wait3A_569 = tpu.memref_slice %arg4[%mul3A_2, %dma_wait3A_568] : memref<819200x64xf32, #tpu.memory_space<hbm>> -> memref<128x64xf32, #tpu.memory_space<hbm>>
    %dma_wait3A_570 = arith.constant 384 : i32
    %dma_wait3A_571 = arith.constant 0 : i32
    %dma_wait3A_572 = tpu.memref_slice %arg6[%dma_wait3A_570, %dma_wait3A_571] : memref<1024x64xf32, #tpu.memory_space<vmem>> -> memref<128x64xf32, #tpu.memory_space<vmem>>
    tpu.wait_dma2 semaphore(%arg18 : memref<!tpu.dma_semaphore, #tpu.memory_space<semaphore_mem>>) src(%dma_wait3A_572 : memref<128x64xf32, #tpu.memory_space<vmem>>) dst(%dma_wait3A_569 : memref<128x64xf32, #tpu.memory_space<hbm>>)
    %dma_wait3A_573 = arith.constant 512 : i32
    %dma_wait3A_574 = arith.constant 0 : i32
    %dma_wait3A_575 = tpu.memref_slice %arg6[%dma_wait3A_573, %dma_wait3A_574] : memref<1024x64xf32, #tpu.memory_space<vmem>> -> memref<128x64xf32, #tpu.memory_space<vmem>>
    %dma_wait3A_576 = arith.constant 0 : i32
    %dma_wait3A_577 = tpu.memref_slice %arg4[%mul3A_2, %dma_wait3A_576] : memref<819200x64xf32, #tpu.memory_space<hbm>> -> memref<128x64xf32, #tpu.memory_space<hbm>>
    %dma_wait3A_578 = arith.constant 0 : i32
    %dma_wait3A_579 = tpu.memref_slice %arg4[%mul3A_2, %dma_wait3A_578] : memref<819200x64xf32, #tpu.memory_space<hbm>> -> memref<128x64xf32, #tpu.memory_space<hbm>>
    %dma_wait3A_580 = arith.constant 512 : i32
    %dma_wait3A_581 = arith.constant 0 : i32
    %dma_wait3A_582 = tpu.memref_slice %arg6[%dma_wait3A_580, %dma_wait3A_581] : memref<1024x64xf32, #tpu.memory_space<vmem>> -> memref<128x64xf32, #tpu.memory_space<vmem>>
    tpu.wait_dma2 semaphore(%arg19 : memref<!tpu.dma_semaphore, #tpu.memory_space<semaphore_mem>>) src(%dma_wait3A_582 : memref<128x64xf32, #tpu.memory_space<vmem>>) dst(%dma_wait3A_579 : memref<128x64xf32, #tpu.memory_space<hbm>>)
    %dma_wait3A_583 = arith.constant 640 : i32
    %dma_wait3A_584 = arith.constant 0 : i32
    %dma_wait3A_585 = tpu.memref_slice %arg6[%dma_wait3A_583, %dma_wait3A_584] : memref<1024x64xf32, #tpu.memory_space<vmem>> -> memref<128x64xf32, #tpu.memory_space<vmem>>
    %dma_wait3A_586 = arith.constant 0 : i32
    %dma_wait3A_587 = tpu.memref_slice %arg4[%mul3A_2, %dma_wait3A_586] : memref<819200x64xf32, #tpu.memory_space<hbm>> -> memref<128x64xf32, #tpu.memory_space<hbm>>
    %dma_wait3A_588 = arith.constant 0 : i32
    %dma_wait3A_589 = tpu.memref_slice %arg4[%mul3A_2, %dma_wait3A_588] : memref<819200x64xf32, #tpu.memory_space<hbm>> -> memref<128x64xf32, #tpu.memory_space<hbm>>
    %dma_wait3A_590 = arith.constant 640 : i32
    %dma_wait3A_591 = arith.constant 0 : i32
    %dma_wait3A_592 = tpu.memref_slice %arg6[%dma_wait3A_590, %dma_wait3A_591] : memref<1024x64xf32, #tpu.memory_space<vmem>> -> memref<128x64xf32, #tpu.memory_space<vmem>>
    tpu.wait_dma2 semaphore(%arg20 : memref<!tpu.dma_semaphore, #tpu.memory_space<semaphore_mem>>) src(%dma_wait3A_592 : memref<128x64xf32, #tpu.memory_space<vmem>>) dst(%dma_wait3A_589 : memref<128x64xf32, #tpu.memory_space<hbm>>)
    %dma_wait3A_593 = arith.constant 768 : i32
    %dma_wait3A_594 = arith.constant 0 : i32
    %dma_wait3A_595 = tpu.memref_slice %arg6[%dma_wait3A_593, %dma_wait3A_594] : memref<1024x64xf32, #tpu.memory_space<vmem>> -> memref<128x64xf32, #tpu.memory_space<vmem>>
    %dma_wait3A_596 = arith.constant 0 : i32
    %dma_wait3A_597 = tpu.memref_slice %arg4[%mul3A_2, %dma_wait3A_596] : memref<819200x64xf32, #tpu.memory_space<hbm>> -> memref<128x64xf32, #tpu.memory_space<hbm>>
    %dma_wait3A_598 = arith.constant 0 : i32
    %dma_wait3A_599 = tpu.memref_slice %arg4[%mul3A_2, %dma_wait3A_598] : memref<819200x64xf32, #tpu.memory_space<hbm>> -> memref<128x64xf32, #tpu.memory_space<hbm>>
    %dma_wait3A_600 = arith.constant 768 : i32
    %dma_wait3A_601 = arith.constant 0 : i32
    %dma_wait3A_602 = tpu.memref_slice %arg6[%dma_wait3A_600, %dma_wait3A_601] : memref<1024x64xf32, #tpu.memory_space<vmem>> -> memref<128x64xf32, #tpu.memory_space<vmem>>
    tpu.wait_dma2 semaphore(%arg21 : memref<!tpu.dma_semaphore, #tpu.memory_space<semaphore_mem>>) src(%dma_wait3A_602 : memref<128x64xf32, #tpu.memory_space<vmem>>) dst(%dma_wait3A_599 : memref<128x64xf32, #tpu.memory_space<hbm>>)
    %dma_wait3A_603 = arith.constant 896 : i32
    %dma_wait3A_604 = arith.constant 0 : i32
    %dma_wait3A_605 = tpu.memref_slice %arg6[%dma_wait3A_603, %dma_wait3A_604] : memref<1024x64xf32, #tpu.memory_space<vmem>> -> memref<128x64xf32, #tpu.memory_space<vmem>>
    %dma_wait3A_606 = arith.constant 0 : i32
    %dma_wait3A_607 = tpu.memref_slice %arg4[%mul3A_2, %dma_wait3A_606] : memref<819200x64xf32, #tpu.memory_space<hbm>> -> memref<128x64xf32, #tpu.memory_space<hbm>>
    %dma_wait3A_608 = arith.constant 0 : i32
    %dma_wait3A_609 = tpu.memref_slice %arg4[%mul3A_2, %dma_wait3A_608] : memref<819200x64xf32, #tpu.memory_space<hbm>> -> memref<128x64xf32, #tpu.memory_space<hbm>>
    %dma_wait3A_610 = arith.constant 896 : i32
    %dma_wait3A_611 = arith.constant 0 : i32
    %dma_wait3A_612 = tpu.memref_slice %arg6[%dma_wait3A_610, %dma_wait3A_611] : memref<1024x64xf32, #tpu.memory_space<vmem>> -> memref<128x64xf32, #tpu.memory_space<vmem>>
    tpu.wait_dma2 semaphore(%arg22 : memref<!tpu.dma_semaphore, #tpu.memory_space<semaphore_mem>>) src(%dma_wait3A_612 : memref<128x64xf32, #tpu.memory_space<vmem>>) dst(%dma_wait3A_609 : memref<128x64xf32, #tpu.memory_space<hbm>>)
    return
  }
}

</mosaic_0001>

<sc_bundles>
// kernel: _gather.3.cloned.1.call-start
scs
__scs_entry_jumppad:
0x0: {  	(pc) =	sbr.rel $0x88, $3  }
0x1: {  	(tag) =	ssettag $0x0;
	lr =	simm.s32 $0x1  }
0x2: {  	[smem:$0x3F9F] =	sst lr;
	_ =	strace $0xD0000000  }
0x3: {  	_ = 	snop  }
0x4: {  	_ = 	snop  }
0x5: {  	_ = 	snop  }
0x6: {  	_ = 	snop  }
0x7: {  	_ = 	snop  }
__scs_overlays_trampoline_lowered:
0x8: {  	[smem:$0x3FAE] =	sst s0  }
0x9: {  	[smem:$0x3FAF] =	sst s1  }
0xa: {  	[smem:$0x3FB0] =	sst s2  }
0xb: {  	[smem:$0x3FB1] =	sst s3  }
0xc: {  	[smem:$0x3FB2] =	sst s4  }
0xd: {  	[smem:$0x3FB3] =	sst s5  }
0xe: {  	[smem:$0x3FB4] =	sst s6  }
0xf: {  	[smem:$0x3FB5] =	sst s7  }
0x10: {  	[smem:$0x3FB6] =	sst s8  }
0x11: {  	[smem:$0x3FB7] =	sst s9;
	s0 =	simm.s32 @!p0 $0x0  }
0x12: {  	s1 =	sld [smem:$0x3F9D];
	s0 =	simm.s32 @p0 $0x1  }
0x13: {  	[smem:$0x3FB8] =	sst s0;
	s0 =	simm.s32 @!p1 $0x0  }
0x14: {  	s2 =	sld [smem:$0x3F9C];
	s0 =	simm.s32 @p1 $0x1  }
0x15: {  	[smem:$0x3FB9] =	sst s0;
	s0 =	simm.s32 @!p2 $0x0  }
0x16: {  	s3 =	sld [smem:$0x3FDB];
	s0 =	simm.s32 @p2 $0x1  }
0x17: {  	s4 =	simm.s32 $0x1BF5;
	[smem:$0x3FBB] =	sst s0  }
0x18: {  	s0 =	sld [smem:$0x3F9E];
	_ =	swait.ge [sflag:s4], $0x0  }
0x19: {  	s7 =	sld [smem:$0x3F9F]  }
0x1a: {  	s8 =	sadd.s32 $0xFFFFE003, lr  }
0x1b: {  	s9 =	sadd.s32 $0xFFFFFEF7, lr;
	s5 =	simm.s32 $0xFFFFFFFF;
	p2 =	slt.u32 s8, $0xFFFFF086  }
0x1c: {  	p1 =	slt.u32 s9, $0xF7A;
	s5 =	simm.s32 @!p2 $0x0  }
0x1d: {  	s5 =	simm.s32 @p1 $0x1;
	p0 =	seq.s32 s7, s2  }
0x1e: {  	s7 =	smul.u32 @!p0 $0xF7A, s2;
	p2 =	seq.s32 @!p0 s5, $0x0  }
0x1f: {  	s9 =	smul.u32 $0xF7A, s1;
	s8 =	simm.s32 @!p0 $0x1BF5;
	p2 =	por !p2, p0  }
0x20: {  	[sflag:s8] =	ssyncset.s32 @!p0 $0xFFFFF086;
	s6 =	sadd.s32 @!p0 s3, s7;
	s7 =	simm.s32 @!p0 $0x108  }
0x21: {  	s3 =	sadd.s32 s3, s9;
	s6 =	sadd.s32 @!p0 $0x88, s6;
	s7 =	simm.s32 @p2 $0x1082  }
0x22: {  	[simem:s7], [sflag:s8] =	dma.local @!p0 [hbm:s6], $0xF7A  }
0x23: {  	s9 =	sor.u32 $0xD0000000, s2;
	s6 =	simm.s32 $0x108;
	_ =	swait.ge @!p0 [sflag:s8], $0x0  }
0x24: {  	s3 =	sadd.s32 $0x88, s3;
	s6 =	simm.s32 @!p1 $0x1082;
	[sflag:s4] =	ssyncset.s32 $0xFFFFF086  }
0x25: {  	[simem:s6], [sflag:s4] =	dma.local [hbm:s3], $0xF7A  }
0x26: {  	[smem:$0x3F9F] =	sst s1;
	(tag) =	ssettag s2;
	_ =	strace s9  }
0x27: {  	s1 =	sld [smem:$0x3FAF]  }
0x28: {  	s2 =	sld [smem:$0x3FB0]  }
0x29: {  	s4 =	sld [smem:$0x3FB2]  }
0x2a: {  	p0 =	seq.s32 s5, $0x0;
	s5 =	sld [smem:$0x3FB3]  }
0x2b: {  	s6 =	sld [smem:$0x3FB4]  }
0x2c: {  	s7 =	sld [smem:$0x3FB5]  }
0x2d: {  	s3 =	simm.s32 $0x108;
	s8 =	sld [smem:$0x3FB6]  }
0x2e: {  	s3 =	simm.s32 @!p0 $0x1082;
	s9 =	sld [smem:$0x3FB7]  }
0x2f: {  	lr =	sadd.s32 s0, s3;
	s0 =	sld [smem:$0x3FAE]  }
0x30: {  	s3 =	sld [smem:$0x3FB1]  }
0x31: {  	[smem:$0x3FBA] =	sst s10  }
0x32: {  	s10 =	sld [smem:$0x3FB8];
	_ =	sdelay $0x3  }
0x33: {  	p0 =	seq.s32 s10, $0x1;
	s10 =	sld [smem:$0x3FBA];
	_ =	sdelay $0x3  }
0x34: {  	[smem:$0x3FBA] =	sst s10  }
0x35: {  	s10 =	sld [smem:$0x3FB9];
	_ =	sdelay $0x3  }
0x36: {  	p1 =	seq.s32 s10, $0x1;
	s10 =	sld [smem:$0x3FBA];
	_ =	sdelay $0x3  }
0x37: {  	[smem:$0x3FBA] =	sst s10  }
0x38: {  	s10 =	sld [smem:$0x3FBB]  }
0x39: {  	_ = 	snop;
	(pc) =	sbr.ind lr, $3  }
0x3a: {  	_ = 	snop  }
0x3b: {  	_ = 	snop  }
0x3c: {  	p2 =	seq.s32 s10, $0x1;
	s10 =	sld [smem:$0x3FBA]  }
0x3d: {  	_ =	shalt  }
0x3e: {  	_ =	shalt  }
0x3f: {  	_ =	shalt  }
0x40: {  	_ =	shalt  }
0x41: {  	_ =	shalt  }
0x42: {  	_ =	shalt  }
0x43: {  	_ =	shalt  }
0x44: {  	_ =	shalt  }
0x45: {  	_ =	shalt  }
0x46: {  	_ =	shalt  }
0x47: {  	_ =	shalt  }
0x48: {  	_ =	shalt  }
0x49: {  	_ =	shalt  }
0x4a: {  	_ =	shalt  }
0x4b: {  	_ =	shalt  }
0x4c: {  	_ =	shalt  }
0x4d: {  	_ =	shalt  }
0x4e: {  	_ =	shalt  }
0x4f: {  	_ =	shalt  }
0x50: {  	_ =	shalt  }
0x51: {  	_ =	shalt  }
0x52: {  	_ =	shalt  }
0x53: {  	_ =	shalt  }
0x54: {  	_ =	shalt  }
0x55: {  	_ =	shalt  }
0x56: {  	_ =	shalt  }
0x57: {  	_ =	shalt  }
0x58: {  	_ =	shalt  }
0x59: {  	_ =	shalt  }
0x5a: {  	_ =	shalt  }
0x5b: {  	_ =	shalt  }
0x5c: {  	_ =	shalt  }
0x5d: {  	_ =	shalt  }
0x5e: {  	_ =	shalt  }
0x5f: {  	_ =	shalt  }
0x60: {  	_ =	shalt  }
0x61: {  	_ =	shalt  }
0x62: {  	_ =	shalt  }
0x63: {  	_ =	shalt  }
0x64: {  	_ =	shalt  }
0x65: {  	_ =	shalt  }
0x66: {  	_ =	shalt  }
0x67: {  	_ =	shalt  }
0x68: {  	_ =	shalt  }
0x69: {  	_ =	shalt  }
0x6a: {  	_ =	shalt  }
0x6b: {  	_ =	shalt  }
0x6c: {  	_ =	shalt  }
0x6d: {  	_ =	shalt  }
0x6e: {  	_ =	shalt  }
0x6f: {  	_ =	shalt  }
0x70: {  	_ =	shalt  }
0x71: {  	_ =	shalt  }
0x72: {  	_ =	shalt  }
0x73: {  	_ =	shalt  }
0x74: {  	_ =	shalt  }
0x75: {  	_ =	shalt  }
0x76: {  	_ =	shalt  }
0x77: {  	_ =	shalt  }
0x78: {  	_ =	shalt  }
0x79: {  	_ =	shalt  }
0x7a: {  	_ =	shalt  }
0x7b: {  	_ =	shalt  }
0x7c: {  	_ =	shalt  }
0x7d: {  	_ =	shalt  }
0x7e: {  	_ =	shalt  }
0x7f: {  	_ =	shalt  }
0x80: {  	_ =	shalt  }
0x81: {  	_ =	shalt  }
0x82: {  	_ =	shalt  }
0x83: {  	_ =	shalt  }
0x84: {  	_ =	shalt  }
0x85: {  	_ =	shalt  }
0x86: {  	_ =	shalt  }
0x87: {  	_ =	shalt  }
.Lfunc_end0:
.L_simem_size_0:
called_computation.1_lowered:
.L_overlay_start_0:
0x88: {  	s2 =	sld [smem:$0x3FD9]  }
0x89: {  	s3 =	sld [smem:$0x3FFE];
	_ =	sdelay $0x1  }
0x8a: {  	s1 =	srdreg.scid  }
0x8b: {  	s0 =	sand.u32 $0x1, s1  }
0x8c: {  	s17 =	sshll.u32 s0, $0xA;
	s2 =	sadd.s32 s3, s2  }
0x8d: {  	s2 =	sadd.s32 s2, s17  }
0x8e: {  	[smem:$0x3FC6] =	sst s2  }
0x8f: {  	_ = 	snop  }
0x90: {  	s2 =	sld [smem:$0x3FC8]  }
0x91: {  	s18 =	sld [smem:$0x3FD0];
	(tm) =	ssettm $0x1  }
0x92: {  	s4 =	sld [smem:$0x3FFB];
	_ =	sdelay $0x3  }
0x93: {  	_ =	strace s4  }
0x94: {  	s4 =	sld [smem:$0x3FFC];
	_ =	sdelay $0x3  }
0x95: {  	_ =	strace s4  }
0x96: {  	s4 =	sld [smem:$0x3FFD];
	_ =	sdelay $0x3  }
0x97: {  	_ =	strace s4  }
0x98: {  	_ =	strace $0x8FFFFFFF  }
0x99: {  	s19 =	sld [smem:$0x3FDB];
	_ =	sdelay $0x1  }
0x9a: {  	s5 =	simm.s32 $_scs_section_size  }
0x9b: {  	s6 =	simm.s32 $_size__tile_overlayer_lowered;
	s7 =	simm.s32 $_tile_overlayer_lowered  }
0x9c: {  	s22 =	simm.s32 $0x1BFF;
	s21 =	sshll.u32 s7, $0x1;
	s4 =	sadd.s32 s5, s19  }
0x9d: {  	s8 =	simm.s32 $0x0;
	s20 =	sshll.u32 s6, $0x1;
	s6 =	sadd.s32 s21, s4  }
0x9e: {  	[timem:s8], [sflag:s22] =	dma.local [hbm:s6], s20  }
0x9f: {  	_ =	swait.ge [sflag:s22], s20  }
0xa0: {  	s5 =	ssub.s32 $0x0, s20;
	[sflag:s22] =	ssyncset.done $0x0  }
0xa1: {  	[sflag:s22] =	ssyncadd.s32 s5;
	_ =	sdelay $0x1  }
0xa2: {  	s23 =	simm.s32 $0x1B8B  }
0xa3: {  	_ =	swait.ge [sflag:s23], $0x1  }
0xa4: {  	[sflag:s23] =	ssyncset.done $0x0  }
0xa5: {  	s25 =	simm.s32 $0x1B8E;
	s24 =	sld [smem:$0x3FFE];
	[sflag:s23] =	ssyncadd.s32 $0xFFFFFFFF  }
0xa6: {  	s26 =	simm.s32 $execute0_lowered;
	[smem:$0x3FD2] =	sst s25  }
0xa7: {  	s6 =	sshll.u32 s26, $0x1;
	_ =	strace $0x80000046;
	[dreg:$0x1] =	wrdreg $0xFFFFFFFF  }
0xa8: {  	s28 =	simm.s32 $_size_execute0_lowered;
	s4 =	sadd.s32 s4, s6;
	[dreg:$0x0] =	wrdreg $0x0  }
0xa9: {  	s6 =	sshll.u32 s28, $0x1;
	[dreg:$0x2] =	wrdreg s4  }
0xaa: {  	[dreg:$0x3] =	wrdreg s6  }
0xab: {  	[dreg:$0x4] =	wrdreg $0xC0  }
0xac: {  	_ =	task [dreg:s8], $0x5FFFF  }
0xad: {  	[dreg:$0x1] =	wrdreg $0xFFFFFFFF  }
0xae: {  	[dreg:$0x0] =	wrdreg $0x60  }
0xaf: {  	[dreg:$0x2] =	wrdreg s24  }
0xb0: {  	[dreg:$0x3] =	wrdreg s2  }
0xb1: {  	[dreg:$0x4] =	wrdreg s18  }
0xb2: {  	[dreg:$0x5] =	wrdreg $0x9  }
0xb3: {  	_ =	task.clear_ibuf [dreg:s8], $0x6FFFF;
	_ =	strace $0x90000046  }
0xb4: {  	s29 =	simm.s32 $0x9;
	_ =	strace $0x80000048  }
0xb5: {  	_ =	swait.ge [sflag:s29], $0x1  }
0xb6: {  	[sflag:s29] =	ssyncadd.s32 $0xFFFFFFFF  }
0xb7: {  	_ =	strace $0x90000048  }
0xb8: {  	_ =	sfence  }
0xb9: {  	s30 =	sld [smem:$0x0];
	_ =	sdelay $0x2  }
0xba: {  	s31 =	sshll.u32 s1, $0xD;
	s1 =	sshrl.u32 s1, $0x2  }
0xbb: {  	s3 =	sand.u32 $0x4000, s31;
	s1 =	sadd.s32 s1, s30  }
0xbc: {  	s0 =	sor.u32 s3, s0;
	s1 =	sshll.u32 s1, $0x11  }
0xbd: {  	s0 =	sor.u32 s1, s0  }
0xbe: {  	s0 =	sadd.s32 $0x8F2B, s0  }
0xbf: {  	[sflag:s0] =	ssyncadd.remote.s32 $0x1  }
0xc0: {  	_ =	sfence.sel $0xFFFF  }
0xc1: {  	[dreg:$0x0] =	wrdreg $0xFFFFFFFF;
	(pc) =	sbr.abs _section_cstart, $3  }
0xc2: {  	[dreg:$0x1] =	wrdreg $0xFFFFFFFF  }
0xc3: {  	_ =	task.clear_ibuf [dreg:s8], $0x2FFFF;
	_ =	strace $0x9FFFFFFF  }
0xc4: {  	(tm) =	ssettm $0x7FFFFFFF  }
0xc5: {  	_ =	shalt  }
tec
execute0_lowered:
.L_overlay_start_1:
0x0: {  	(tag) =	ssettag $0x1  }
0x1: {  	s0 =	rddreg [dreg:$0x0]  }
0x2: {  	s2 =	srdreg.scid;
	s10 =	stileid.u32  }
0x3: {  	s1 =	rddreg [dreg:$0x1];
	s2 =	sand.u32 $0x1, s2;
	s4 =	sshll.u32 s10, $0x1  }
0x4: {  	s28 =	rddreg [dreg:$0x2];
	s3 =	simm.s32 $0x0;
	s5 =	sor.u32 s2, s4  }
0x5: {  	[smem:$0x7FF] =	sst s3;
	s6 =	ssub.s32 $0x2, s2;
	s9 =	smul.u32 $0x32000, s5  }
0x6: {  	_ =	strace $0x80000047;
	s7 =	smul.u32 $0x6400, s5;
	s8 =	sshrl.u32 s6, $0x1  }
0x7: {  	s4 =	sadd.s32 $0x800, s0;
	s0 =	ssub.s32 s6, s8;
	s26 =	sadd.s32 s28, s9  }
0x8: {  	s25 =	sshrl.u32 s7, $0x3;
	s0 =	smax.u32 s0, $0x1;
	[dreg:$0xc] =	wrdreg s26  }
0x9: {  	s1 =	sadd.s32 s1, s25;
	[dreg:$0x1c] =	wrdreg s0  }
0xa: {  	s30 =	sadd.s32 $0x400, s26;
	[dreg:$0xb] =	wrdreg s1  }
0xb: {  	s18 =	smul.u32 $0x320000, s10;
	s31 =	sadd.s32 $0x800, s26;
	[dreg:$0xd] =	wrdreg s30  }
0xc: {  	s12 =	smul.u32 $0x6400, s2;
	s6 =	sadd.s32 $0xC00, s26;
	[dreg:$0xe] =	wrdreg s31  }
0xd: {  	s2 =	smul.u32 $0x190000, s2;
	s8 =	sadd.s32 $0x1000, s26;
	[dreg:$0xf] =	wrdreg s6  }
0xe: {  	s29 =	smul.u32 $0x190000, s5;
	s11 =	sadd.s32 $0x1400, s26;
	[dreg:$0x10] =	wrdreg s8  }
0xf: {  	s2 =	sadd.s32 s2, s18;
	s13 =	sadd.s32 $0x1800, s26;
	[dreg:$0x11] =	wrdreg s11  }
0x10: {  	s7 =	sadd.s32 $0x1C00, s26;
	s1 =	sshrl.u32 s29, $0x3;
	[dreg:$0x12] =	wrdreg s13  }
0x11: {  	[dreg:$0x13] =	wrdreg s7;
	s30 =	sadd.s32 $0x10000, s2;
	s1 =	sadd.s32 s28, s1  }
0x12: {  	[dreg:$0x1d] =	wrdreg s30;
	s14 =	sadd.s32 $0x30000, s1  }
0x13: {  	s15 =	sadd.s32 $0x30400, s1;
	[dreg:$0x14] =	wrdreg s14  }
0x14: {  	s9 =	smul.u32 $0xC800, s10;
	s16 =	sadd.s32 $0x30800, s1;
	[dreg:$0x15] =	wrdreg s15  }
0x15: {  	s17 =	sadd.s32 $0x30C00, s1;
	[dreg:$0x16] =	wrdreg s16  }
0x16: {  	s5 =	sadd.s32 s12, s9;
	s19 =	sadd.s32 $0x31000, s1;
	[dreg:$0x17] =	wrdreg s17  }
0x17: {  	s5 =	sshll.u32 s5, $0x3;
	s21 =	sadd.s32 $0x31400, s1;
	[dreg:$0x18] =	wrdreg s19  }
0x18: {  	s20 =	sadd.s32 $0x2C00, s5;
	[dreg:$0x19] =	wrdreg s21  }
0x19: {  	s22 =	sadd.s32 $0x2800, s5;
	[dreg:$0x4] =	wrdreg s20  }
0x1a: {  	s24 =	sadd.s32 $0x31800, s1;
	[dreg:$0x5] =	wrdreg s22  }
0x1b: {  	s23 =	sadd.s32 $0x2400, s5;
	[dreg:$0x1a] =	wrdreg s24  }
0x1c: {  	s18 =	simm.s32 $0xC;
	s1 =	sadd.s32 $0x31C00, s1;
	[dreg:$0x6] =	wrdreg s23  }
0x1d: {  	s0 =	simm.s32 $0x0;
	s25 =	sadd.s32 $0x3C00, s5;
	[dreg:$0x1b] =	wrdreg s1  }
0x1e: {  	s7 =	simm.s32 $0x3;
	s26 =	sadd.s32 $0x3800, s5;
	[dreg:$0x7] =	wrdreg s25  }
0x1f: {  	s9 =	simm.s32 $0x4;
	s29 =	sadd.s32 $0x3400, s5;
	[dreg:$0x8] =	wrdreg s26  }
0x20: {  	s11 =	simm.s32 $0x5;
	s31 =	sadd.s32 $0x3000, s5;
	[dreg:$0x9] =	wrdreg s29  }
0x21: {  	s12 =	simm.s32 $0x9;
	s13 =	simm.s32 $0x6;
	[dreg:$0xa] =	wrdreg s31  }
0x22: {  	s25 =	simm.s32 $0x80;
	s14 =	simm.s32 $0xA;
	s15 =	simm.s32 $0x7  }
0x23: {  	s16 =	simm.s32 $0xB;
	s17 =	simm.s32 $0x8;
	s19 =	simm.s32 $0xD  }
0x24: {  	s20 =	simm.s32 $0xE;
	s21 =	simm.s32 $0xF;
	s22 =	simm.s32 $0x10  }
.LBB2_1:
0x25: {  	[dreg:$0x1e] =	wrdreg s0  }
0x26: {  	s2 =	rddreg [dreg:$0xb];
	s8 =	simm.s32 $0x11  }
0x27: {  	[tilespmem:s3], [sflag:$0x11] =	stream.linear.gather [hbm4b:s2+s3], $0x6400, $0x38;
	[tilespmem:$0x16400] =	vst v63  }
0x28: {  	_ =	swait.ge [sflag:s8], $0x6400  }
0x29: {  	[sflag:s8] =	ssyncset.done $0x0  }
0x2a: {  	s23 =	simm.s32 $0x6400;
	[sflag:s8] =	ssyncadd.s32 $0xFFFF9C00  }
0x2b: {  	[tilespmem:s23], [sflag:$0x1] =	stream.indirect.gather [hbm4b:s4+s25], $0x40, s3, s25, $0xb8;
	[tilespmem:$0x16400] =	vst v63  }
0x2c: {  	s1 =	simm.s32 $0x8400  }
0x2d: {  	[tilespmem:s1], [sflag:$0x2] =	stream.indirect.gather [hbm4b:s4+s25], $0x40, s25, s25, $0xb8;
	[tilespmem:$0x16400] =	vst v63  }
0x2e: {  	s10 =	simm.s32 $0x100;
	s24 =	simm.s32 $0xA400  }
0x2f: {  	[tilespmem:s24], [sflag:$0x3] =	stream.indirect.gather [hbm4b:s4+s25], $0x40, s10, s25, $0xb8;
	[tilespmem:$0x16400] =	vst v63  }
0x30: {  	s26 =	simm.s32 $0x180;
	s5 =	simm.s32 $0xC400;
	s0 =	simm.s32 $0x1  }
0x31: {  	[tilespmem:s5], [sflag:$0x4] =	stream.indirect.gather [hbm4b:s4+s25], $0x40, s26, s25, $0xb8;
	[tilespmem:$0x16400] =	vst v63  }
0x32: {  	_ =	swait.ge [sflag:s0], $0x2000  }
0x33: {  	[sflag:s0] =	ssyncset.done $0x0  }
0x34: {  	s29 =	rddreg [dreg:$0xc];
	[sflag:s0] =	ssyncadd.s32 $0xFFFFE000  }
0x35: {  	[hbm4b:s29+s3] =	stream.linear.scatter [tilespmem:s23], [sflag:$0x9], $0x2000, $0x38;
	[tilespmem:$0x16400] =	vst v63  }
0x36: {  	s30 =	simm.s32 $0x200;
	s26 =	simm.s32 $0xE400;
	s29 =	simm.s32 $0x2  }
0x37: {  	[tilespmem:s26], [sflag:$0x5] =	stream.indirect.gather [hbm4b:s4+s25], $0x40, s30, s25, $0xb8;
	[tilespmem:$0x16400] =	vst v63  }
0x38: {  	_ =	swait.ge [sflag:s29], $0x2000  }
0x39: {  	[sflag:s29] =	ssyncset.done $0x0  }
0x3a: {  	s31 =	rddreg [dreg:$0xd];
	[sflag:s29] =	ssyncadd.s32 $0xFFFFE000  }
0x3b: {  	[hbm4b:s31+s3] =	stream.linear.scatter [tilespmem:s1], [sflag:$0xA], $0x2000, $0x38;
	[tilespmem:$0x16400] =	vst v63  }
0x3c: {  	s6 =	simm.s32 $0x280;
	s8 =	simm.s32 $0x10400  }
0x3d: {  	[tilespmem:s8], [sflag:$0x6] =	stream.indirect.gather [hbm4b:s4+s25], $0x40, s6, s25, $0xb8;
	[tilespmem:$0x16400] =	vst v63  }
0x3e: {  	_ =	swait.ge [sflag:s7], $0x2000  }
0x3f: {  	[sflag:s7] =	ssyncset.done $0x0  }
0x40: {  	s10 =	rddreg [dreg:$0xe];
	[sflag:s7] =	ssyncadd.s32 $0xFFFFE000  }
0x41: {  	[hbm4b:s10+s3] =	stream.linear.scatter [tilespmem:s24], [sflag:$0xB], $0x2000, $0x38;
	[tilespmem:$0x16400] =	vst v63  }
0x42: {  	s30 =	simm.s32 $0x300;
	s10 =	simm.s32 $0x12400  }
0x43: {  	[tilespmem:s10], [sflag:$0x7] =	stream.indirect.gather [hbm4b:s4+s25], $0x40, s30, s25, $0xb8;
	[tilespmem:$0x16400] =	vst v63  }
0x44: {  	_ =	swait.ge [sflag:s9], $0x2000  }
0x45: {  	[sflag:s9] =	ssyncset.done $0x0  }
0x46: {  	s31 =	rddreg [dreg:$0xf];
	[sflag:s9] =	ssyncadd.s32 $0xFFFFE000  }
0x47: {  	[hbm4b:s31+s3] =	stream.linear.scatter [tilespmem:s5], [sflag:$0xC], $0x2000, $0x38;
	[tilespmem:$0x16400] =	vst v63  }
0x48: {  	s6 =	simm.s32 $0x380;
	s30 =	simm.s32 $0x14400  }
0x49: {  	[tilespmem:s30], [sflag:$0x8] =	stream.indirect.gather [hbm4b:s4+s25], $0x40, s6, s25, $0xb8;
	[tilespmem:$0x16400] =	vst v63  }
0x4a: {  	_ =	swait.ge [sflag:s11], $0x2000  }
0x4b: {  	[sflag:s11] =	ssyncset.done $0x0  }
0x4c: {  	s31 =	rddreg [dreg:$0x10];
	[sflag:s11] =	ssyncadd.s32 $0xFFFFE000  }
0x4d: {  	[hbm4b:s31+s3] =	stream.linear.scatter [tilespmem:s26], [sflag:$0xD], $0x2000, $0x38;
	[tilespmem:$0x16400] =	vst v63  }
0x4e: {  	_ =	swait.ge [sflag:s12], $0x2000  }
0x4f: {  	[sflag:s12] =	ssyncset.done $0x0  }
0x50: {  	s6 =	simm.s32 $0x400;
	[sflag:s12] =	ssyncadd.s32 $0xFFFFE000  }
0x51: {  	[tilespmem:s23], [sflag:$0x1] =	stream.indirect.gather [hbm4b:s4+s25], $0x40, s6, s25, $0xb8;
	[tilespmem:$0x16400] =	vst v63  }
0x52: {  	_ =	swait.ge [sflag:s13], $0x2000  }
0x53: {  	[sflag:s13] =	ssyncset.done $0x0  }
0x54: {  	s31 =	rddreg [dreg:$0x11];
	[sflag:s13] =	ssyncadd.s32 $0xFFFFE000  }
0x55: {  	[hbm4b:s31+s3] =	stream.linear.scatter [tilespmem:s8], [sflag:$0xE], $0x2000, $0x38;
	[tilespmem:$0x16400] =	vst v63  }
0x56: {  	_ =	swait.ge [sflag:s14], $0x2000  }
0x57: {  	[sflag:s14] =	ssyncset.done $0x0  }
0x58: {  	s6 =	simm.s32 $0x480;
	[sflag:s14] =	ssyncadd.s32 $0xFFFFE000  }
0x59: {  	[tilespmem:s1], [sflag:$0x2] =	stream.indirect.gather [hbm4b:s4+s25], $0x40, s6, s25, $0xb8;
	[tilespmem:$0x16400] =	vst v63  }
0x5a: {  	_ =	swait.ge [sflag:s15], $0x2000  }
0x5b: {  	[sflag:s15] =	ssyncset.done $0x0  }
0x5c: {  	s31 =	rddreg [dreg:$0x12];
	[sflag:s15] =	ssyncadd.s32 $0xFFFFE000  }
0x5d: {  	[hbm4b:s31+s3] =	stream.linear.scatter [tilespmem:s10], [sflag:$0xF], $0x2000, $0x38;
	[tilespmem:$0x16400] =	vst v63  }
0x5e: {  	_ =	swait.ge [sflag:s16], $0x2000  }
0x5f: {  	[sflag:s16] =	ssyncset.done $0x0  }
0x60: {  	s6 =	simm.s32 $0x500;
	[sflag:s16] =	ssyncadd.s32 $0xFFFFE000  }
0x61: {  	[tilespmem:s24], [sflag:$0x3] =	stream.indirect.gather [hbm4b:s4+s25], $0x40, s6, s25, $0xb8;
	[tilespmem:$0x16400] =	vst v63  }
0x62: {  	_ =	swait.ge [sflag:s17], $0x2000  }
0x63: {  	[sflag:s17] =	ssyncset.done $0x0  }
0x64: {  	s31 =	rddreg [dreg:$0x13];
	[sflag:s17] =	ssyncadd.s32 $0xFFFFE000  }
0x65: {  	[hbm4b:s31+s3] =	stream.linear.scatter [tilespmem:s30], [sflag:$0x10], $0x2000, $0x38;
	[tilespmem:$0x16400] =	vst v63  }
0x66: {  	_ =	swait.ge [sflag:s18], $0x2000  }
0x67: {  	[sflag:s18] =	ssyncset.done $0x0  }
0x68: {  	s6 =	simm.s32 $0x580;
	[sflag:s18] =	ssyncadd.s32 $0xFFFFE000  }
0x69: {  	[tilespmem:s5], [sflag:$0x4] =	stream.indirect.gather [hbm4b:s4+s25], $0x40, s6, s25, $0xb8;
	[tilespmem:$0x16400] =	vst v63  }
0x6a: {  	_ =	swait.ge [sflag:s0], $0x2000  }
0x6b: {  	s6 =	rddreg [dreg:$0x1d]  }
0x6c: {  	[sflag:s0] =	ssyncset.done $0x0;
	s31 =	sshrl.u32 s6, $0x3  }
0x6d: {  	[sflag:s0] =	ssyncadd.s32 $0xFFFFE000;
	s2 =	sadd.s32 s28, s31  }
0x6e: {  	[hbm4b:s2+s3] =	stream.linear.scatter [tilespmem:s23], [sflag:$0x9], $0x2000, $0x38;
	[tilespmem:$0x16400] =	vst v63  }
0x6f: {  	_ =	swait.ge [sflag:s19], $0x2000  }
0x70: {  	[sflag:s19] =	ssyncset.done $0x0  }
0x71: {  	s0 =	simm.s32 $0x600;
	[sflag:s19] =	ssyncadd.s32 $0xFFFFE000  }
0x72: {  	[tilespmem:s26], [sflag:$0x5] =	stream.indirect.gather [hbm4b:s4+s25], $0x40, s0, s25, $0xb8;
	[tilespmem:$0x16400] =	vst v63  }
0x73: {  	_ =	swait.ge [sflag:s29], $0x2000  }
0x74: {  	s31 =	rddreg [dreg:$0x6];
	[sflag:s29] =	ssyncset.done $0x0  }
0x75: {  	[sflag:s29] =	ssyncadd.s32 $0xFFFFE000;
	s2 =	sadd.s32 s28, s31  }
0x76: {  	[hbm4b:s2+s3] =	stream.linear.scatter [tilespmem:s1], [sflag:$0xA], $0x2000, $0x38;
	[tilespmem:$0x16400] =	vst v63  }
0x77: {  	_ =	swait.ge [sflag:s20], $0x2000  }
0x78: {  	[sflag:s20] =	ssyncset.done $0x0  }
0x79: {  	s0 =	simm.s32 $0x680;
	[sflag:s20] =	ssyncadd.s32 $0xFFFFE000  }
0x7a: {  	[tilespmem:s8], [sflag:$0x6] =	stream.indirect.gather [hbm4b:s4+s25], $0x40, s0, s25, $0xb8;
	[tilespmem:$0x16400] =	vst v63  }
0x7b: {  	_ =	swait.ge [sflag:s7], $0x2000  }
0x7c: {  	s29 =	rddreg [dreg:$0x5];
	[sflag:s7] =	ssyncset.done $0x0  }
0x7d: {  	[sflag:s7] =	ssyncadd.s32 $0xFFFFE000;
	s2 =	sadd.s32 s28, s29  }
0x7e: {  	[hbm4b:s2+s3] =	stream.linear.scatter [tilespmem:s24], [sflag:$0xB], $0x2000, $0x38;
	[tilespmem:$0x16400] =	vst v63  }
0x7f: {  	_ =	swait.ge [sflag:s21], $0x2000  }
0x80: {  	[sflag:s21] =	ssyncset.done $0x0  }
0x81: {  	s31 =	simm.s32 $0x700;
	[sflag:s21] =	ssyncadd.s32 $0xFFFFE000  }
0x82: {  	[tilespmem:s10], [sflag:$0x7] =	stream.indirect.gather [hbm4b:s4+s25], $0x40, s31, s25, $0xb8;
	[tilespmem:$0x16400] =	vst v63  }
0x83: {  	_ =	swait.ge [sflag:s9], $0x2000  }
0x84: {  	s0 =	rddreg [dreg:$0x4];
	[sflag:s9] =	ssyncset.done $0x0  }
0x85: {  	[sflag:s9] =	ssyncadd.s32 $0xFFFFE000;
	s2 =	sadd.s32 s28, s0  }
0x86: {  	[hbm4b:s2+s3] =	stream.linear.scatter [tilespmem:s5], [sflag:$0xC], $0x2000, $0x38;
	[tilespmem:$0x16400] =	vst v63  }
0x87: {  	_ =	swait.ge [sflag:s22], $0x2000  }
0x88: {  	[sflag:s22] =	ssyncset.done $0x0  }
0x89: {  	s29 =	simm.s32 $0x780;
	[sflag:s22] =	ssyncadd.s32 $0xFFFFE000  }
0x8a: {  	[tilespmem:s30], [sflag:$0x8] =	stream.indirect.gather [hbm4b:s4+s25], $0x40, s29, s25, $0xb8;
	[tilespmem:$0x16400] =	vst v63  }
0x8b: {  	_ =	swait.ge [sflag:s11], $0x2000  }
0x8c: {  	s31 =	rddreg [dreg:$0xa];
	[sflag:s11] =	ssyncset.done $0x0  }
0x8d: {  	[sflag:s11] =	ssyncadd.s32 $0xFFFFE000;
	s2 =	sadd.s32 s28, s31  }
0x8e: {  	[hbm4b:s2+s3] =	stream.linear.scatter [tilespmem:s26], [sflag:$0xD], $0x2000, $0x38;
	[tilespmem:$0x16400] =	vst v63  }
0x8f: {  	_ =	swait.ge [sflag:s12], $0x2000  }
0x90: {  	[sflag:s12] =	ssyncset.done $0x0  }
0x91: {  	s0 =	simm.s32 $0x800;
	[sflag:s12] =	ssyncadd.s32 $0xFFFFE000  }
0x92: {  	[tilespmem:s23], [sflag:$0x1] =	stream.indirect.gather [hbm4b:s4+s25], $0x40, s0, s25, $0xb8;
	[tilespmem:$0x16400] =	vst v63  }
0x93: {  	_ =	swait.ge [sflag:s13], $0x2000  }
0x94: {  	s5 =	rddreg [dreg:$0x9];
	[sflag:s13] =	ssyncset.done $0x0  }
0x95: {  	[sflag:s13] =	ssyncadd.s32 $0xFFFFE000;
	s2 =	sadd.s32 s28, s5  }
0x96: {  	[hbm4b:s2+s3] =	stream.linear.scatter [tilespmem:s8], [sflag:$0xE], $0x2000, $0x38;
	[tilespmem:$0x16400] =	vst v63  }
0x97: {  	_ =	swait.ge [sflag:s14], $0x2000  }
0x98: {  	[sflag:s14] =	ssyncset.done $0x0  }
0x99: {  	s23 =	simm.s32 $0x880;
	[sflag:s14] =	ssyncadd.s32 $0xFFFFE000  }
0x9a: {  	[tilespmem:s1], [sflag:$0x2] =	stream.indirect.gather [hbm4b:s4+s25], $0x40, s23, s25, $0xb8;
	[tilespmem:$0x16400] =	vst v63  }
0x9b: {  	_ =	swait.ge [sflag:s15], $0x2000  }
0x9c: {  	s26 =	rddreg [dreg:$0x8];
	[sflag:s15] =	ssyncset.done $0x0  }
0x9d: {  	[sflag:s15] =	ssyncadd.s32 $0xFFFFE000;
	s2 =	sadd.s32 s28, s26  }
0x9e: {  	[hbm4b:s2+s3] =	stream.linear.scatter [tilespmem:s10], [sflag:$0xF], $0x2000, $0x38;
	[tilespmem:$0x16400] =	vst v63  }
0x9f: {  	_ =	swait.ge [sflag:s16], $0x2000  }
0xa0: {  	[sflag:s16] =	ssyncset.done $0x0  }
0xa1: {  	s29 =	simm.s32 $0x900;
	[sflag:s16] =	ssyncadd.s32 $0xFFFFE000  }
0xa2: {  	[tilespmem:s24], [sflag:$0x3] =	stream.indirect.gather [hbm4b:s4+s25], $0x40, s29, s25, $0xb8;
	[tilespmem:$0x16400] =	vst v63  }
0xa3: {  	_ =	swait.ge [sflag:s17], $0x2000  }
0xa4: {  	s31 =	rddreg [dreg:$0x7];
	[sflag:s17] =	ssyncset.done $0x0  }
0xa5: {  	[sflag:s17] =	ssyncadd.s32 $0xFFFFE000;
	s2 =	sadd.s32 s28, s31  }
0xa6: {  	[hbm4b:s2+s3] =	stream.linear.scatter [tilespmem:s30], [sflag:$0x10], $0x2000, $0x38;
	[tilespmem:$0x16400] =	vst v63  }
0xa7: {  	_ =	swait.ge [sflag:s18], $0x2000  }
0xa8: {  	s6 =	sadd.s32 $0x10000, s6;
	s23 =	sadd.s32 $0x2000, s28;
	[sflag:s18] =	ssyncset.done $0x0  }
0xa9: {  	s24 =	simm.s32 $0x1000;
	s2 =	simm.s32 $0x980;
	[sflag:s18] =	ssyncadd.s32 $0xFFFFE000  }
.LBB2_2:
0xaa: {  	s1 =	simm.s32 $0xC400;
	s0 =	simm.s32 $0x1  }
0xab: {  	[tilespmem:s1], [sflag:$0x4] =	stream.indirect.gather [hbm4b:s4+s25], $0x40, s2, s25, $0xb8;
	[tilespmem:$0x16400] =	vst v63  }
0xac: {  	_ =	swait.ge [sflag:s0], $0x2000  }
0xad: {  	s26 =	sshrl.u32 s6, $0x3;
	[sflag:s0] =	ssyncset.done $0x0  }
0xae: {  	s30 =	simm.s32 $0x6400;
	s26 =	sadd.s32 s28, s26;
	[sflag:s0] =	ssyncadd.s32 $0xFFFFE000  }
0xaf: {  	[hbm4b:s26+s3] =	stream.linear.scatter [tilespmem:s30], [sflag:$0x9], $0x2000, $0x38;
	[tilespmem:$0x16400] =	vst v63  }
0xb0: {  	s8 =	smov.u32 s24;
	_ =	swait.ge [sflag:s19], $0x2000  }
0xb1: {  	s2 =	sshra.s32 s8, $0x2;
	s8 =	simm.s32 $0xE400;
	[sflag:s19] =	ssyncset.done $0x0  }
0xb2: {  	s10 =	sadd.s32 $0x600, s2;
	s26 =	simm.s32 $0x2;
	[sflag:s19] =	ssyncadd.s32 $0xFFFFE000  }
0xb3: {  	[tilespmem:s8], [sflag:$0x5] =	stream.indirect.gather [hbm4b:s4+s25], $0x40, s10, s25, $0xb8;
	[tilespmem:$0x16400] =	vst v63  }
0xb4: {  	_ =	swait.ge [sflag:s26], $0x2000  }
0xb5: {  	s29 =	rddreg [dreg:$0x6];
	[sflag:s26] =	ssyncset.done $0x0  }
0xb6: {  	s31 =	simm.s32 $0x8400;
	[sflag:s26] =	ssyncadd.s32 $0xFFFFE000;
	s26 =	sadd.s32 s23, s29  }
0xb7: {  	[hbm4b:s26+s3] =	stream.linear.scatter [tilespmem:s31], [sflag:$0xA], $0x2000, $0x38;
	[tilespmem:$0x16400] =	vst v63  }
0xb8: {  	_ =	swait.ge [sflag:s20], $0x2000  }
0xb9: {  	[sflag:s20] =	ssyncset.done $0x0  }
0xba: {  	s0 =	sadd.s32 $0x680, s2;
	s10 =	simm.s32 $0x10400;
	[sflag:s20] =	ssyncadd.s32 $0xFFFFE000  }
0xbb: {  	[tilespmem:s10], [sflag:$0x6] =	stream.indirect.gather [hbm4b:s4+s25], $0x40, s0, s25, $0xb8;
	[tilespmem:$0x16400] =	vst v63  }
0xbc: {  	_ =	swait.ge [sflag:s7], $0x2000  }
0xbd: {  	s5 =	rddreg [dreg:$0x5];
	[sflag:s7] =	ssyncset.done $0x0  }
0xbe: {  	[sflag:s7] =	ssyncadd.s32 $0xFFFFE000;
	s26 =	sadd.s32 s23, s5;
	s5 =	simm.s32 $0xA400  }
0xbf: {  	[hbm4b:s26+s3] =	stream.linear.scatter [tilespmem:s5], [sflag:$0xB], $0x2000, $0x38;
	[tilespmem:$0x16400] =	vst v63  }
0xc0: {  	_ =	swait.ge [sflag:s21], $0x2000  }
0xc1: {  	[sflag:s21] =	ssyncset.done $0x0  }
0xc2: {  	s29 =	sadd.s32 $0x700, s2;
	s0 =	simm.s32 $0x12400;
	[sflag:s21] =	ssyncadd.s32 $0xFFFFE000  }
0xc3: {  	[tilespmem:s0], [sflag:$0x7] =	stream.indirect.gather [hbm4b:s4+s25], $0x40, s29, s25, $0xb8;
	[tilespmem:$0x16400] =	vst v63  }
0xc4: {  	_ =	swait.ge [sflag:s9], $0x2000  }
0xc5: {  	s29 =	rddreg [dreg:$0x4];
	[sflag:s9] =	ssyncset.done $0x0  }
0xc6: {  	[sflag:s9] =	ssyncadd.s32 $0xFFFFE000;
	s26 =	sadd.s32 s23, s29  }
0xc7: {  	[hbm4b:s26+s3] =	stream.linear.scatter [tilespmem:s1], [sflag:$0xC], $0x2000, $0x38;
	[tilespmem:$0x16400] =	vst v63  }
0xc8: {  	_ =	swait.ge [sflag:s22], $0x2000  }
0xc9: {  	[sflag:s22] =	ssyncset.done $0x0  }
0xca: {  	s29 =	simm.s32 $0x14400;
	s1 =	sadd.s32 $0x780, s2;
	[sflag:s22] =	ssyncadd.s32 $0xFFFFE000  }
0xcb: {  	[tilespmem:s29], [sflag:$0x8] =	stream.indirect.gather [hbm4b:s4+s25], $0x40, s1, s25, $0xb8;
	[tilespmem:$0x16400] =	vst v63  }
0xcc: {  	_ =	swait.ge [sflag:s11], $0x2000  }
0xcd: {  	s1 =	rddreg [dreg:$0xa];
	[sflag:s11] =	ssyncset.done $0x0  }
0xce: {  	[sflag:s11] =	ssyncadd.s32 $0xFFFFE000;
	s26 =	sadd.s32 s23, s1  }
0xcf: {  	[hbm4b:s26+s3] =	stream.linear.scatter [tilespmem:s8], [sflag:$0xD], $0x2000, $0x38;
	[tilespmem:$0x16400] =	vst v63  }
0xd0: {  	_ =	swait.ge [sflag:s12], $0x2000  }
0xd1: {  	[sflag:s12] =	ssyncset.done $0x0  }
0xd2: {  	s8 =	sadd.s32 $0x800, s2;
	[sflag:s12] =	ssyncadd.s32 $0xFFFFE000  }
0xd3: {  	[tilespmem:s30], [sflag:$0x1] =	stream.indirect.gather [hbm4b:s4+s25], $0x40, s8, s25, $0xb8;
	[tilespmem:$0x16400] =	vst v63  }
0xd4: {  	_ =	swait.ge [sflag:s13], $0x2000  }
0xd5: {  	s8 =	rddreg [dreg:$0x9];
	[sflag:s13] =	ssyncset.done $0x0  }
0xd6: {  	[sflag:s13] =	ssyncadd.s32 $0xFFFFE000;
	s26 =	sadd.s32 s23, s8  }
0xd7: {  	[hbm4b:s26+s3] =	stream.linear.scatter [tilespmem:s10], [sflag:$0xE], $0x2000, $0x38;
	[tilespmem:$0x16400] =	vst v63  }
0xd8: {  	_ =	swait.ge [sflag:s14], $0x2000  }
0xd9: {  	[sflag:s14] =	ssyncset.done $0x0  }
0xda: {  	s8 =	sadd.s32 $0x880, s2;
	[sflag:s14] =	ssyncadd.s32 $0xFFFFE000  }
0xdb: {  	[tilespmem:s31], [sflag:$0x2] =	stream.indirect.gather [hbm4b:s4+s25], $0x40, s8, s25, $0xb8;
	[tilespmem:$0x16400] =	vst v63  }
0xdc: {  	_ =	swait.ge [sflag:s15], $0x2000  }
0xdd: {  	s10 =	rddreg [dreg:$0x8];
	[sflag:s15] =	ssyncset.done $0x0  }
0xde: {  	[sflag:s15] =	ssyncadd.s32 $0xFFFFE000;
	s26 =	sadd.s32 s23, s10  }
0xdf: {  	[hbm4b:s26+s3] =	stream.linear.scatter [tilespmem:s0], [sflag:$0xF], $0x2000, $0x38;
	[tilespmem:$0x16400] =	vst v63  }
0xe0: {  	_ =	swait.ge [sflag:s16], $0x2000  }
0xe1: {  	[sflag:s16] =	ssyncset.done $0x0  }
0xe2: {  	s8 =	sadd.s32 $0x900, s2;
	[sflag:s16] =	ssyncadd.s32 $0xFFFFE000  }
0xe3: {  	[tilespmem:s5], [sflag:$0x3] =	stream.indirect.gather [hbm4b:s4+s25], $0x40, s8, s25, $0xb8;
	[tilespmem:$0x16400] =	vst v63  }
0xe4: {  	p0 =	sne.s32 s24, $0x16000;
	_ =	swait.ge [sflag:s17], $0x2000  }
0xe5: {  	s24 =	sadd.s32 $0x1000, s24;
	s10 =	rddreg [dreg:$0x7];
	[sflag:s17] =	ssyncset.done $0x0  }
.Ltmp0:
0xe6: {  	[sflag:s17] =	ssyncadd.s32 $0xFFFFE000;
	s26 =	sadd.s32 s23, s10;
	(pc) =	sbr.rel @p0 .LBB2_2-.Ltmp0, $4  }
0xe7: {  	[hbm4b:s26+s3] =	stream.linear.scatter [tilespmem:s29], [sflag:$0x10], $0x2000, $0x38;
	[tilespmem:$0x16400] =	vst v63  }
0xe8: {  	s6 =	sadd.s32 $0x10000, s6;
	s1 =	simm.s32 $0x6400;
	_ =	swait.ge [sflag:s18], $0x2000  }
0xe9: {  	s30 =	simm.s32 $0x8400;
	s31 =	simm.s32 $0xA400;
	[sflag:s18] =	ssyncset.done $0x0  }
0xea: {  	s2 =	sadd.s32 $0x980, s2;
	s23 =	sadd.s32 $0x2000, s23;
	[sflag:s18] =	ssyncadd.s32 $0xFFFFE000  }
0xeb: {  	s5 =	simm.s32 $0xC400;
	s0 =	simm.s32 $0x1  }
0xec: {  	[tilespmem:s5], [sflag:$0x4] =	stream.indirect.gather [hbm4b:s4+s25], $0x40, s2, s25, $0xb8;
	[tilespmem:$0x16400] =	vst v63  }
0xed: {  	_ =	swait.ge [sflag:s0], $0x2000  }
0xee: {  	[sflag:s0] =	ssyncset.done $0x0  }
0xef: {  	s6 =	rddreg [dreg:$0x14];
	[sflag:s0] =	ssyncadd.s32 $0xFFFFE000  }
0xf0: {  	[hbm4b:s6+s3] =	stream.linear.scatter [tilespmem:s1], [sflag:$0x9], $0x2000, $0x38;
	[tilespmem:$0x16400] =	vst v63  }
0xf1: {  	_ =	swait.ge [sflag:s19], $0x2000  }
0xf2: {  	s8 =	simm.s32 $0x6200;
	[sflag:s19] =	ssyncset.done $0x0  }
0xf3: {  	s10 =	simm.s32 $0x2;
	s1 =	simm.s32 $0xE400;
	[sflag:s19] =	ssyncadd.s32 $0xFFFFE000  }
0xf4: {  	[tilespmem:s1], [sflag:$0x5] =	stream.indirect.gather [hbm4b:s4+s25], $0x40, s8, s25, $0xb8;
	[tilespmem:$0x16400] =	vst v63  }
0xf5: {  	_ =	swait.ge [sflag:s10], $0x2000  }
0xf6: {  	[sflag:s10] =	ssyncset.done $0x0  }
0xf7: {  	s23 =	rddreg [dreg:$0x15];
	[sflag:s10] =	ssyncadd.s32 $0xFFFFE000  }
0xf8: {  	[hbm4b:s23+s3] =	stream.linear.scatter [tilespmem:s30], [sflag:$0xA], $0x2000, $0x38;
	[tilespmem:$0x16400] =	vst v63  }
0xf9: {  	_ =	swait.ge [sflag:s20], $0x2000  }
0xfa: {  	[sflag:s20] =	ssyncset.done $0x0  }
0xfb: {  	s24 =	simm.s32 $0x6280;
	s6 =	simm.s32 $0x10400;
	[sflag:s20] =	ssyncadd.s32 $0xFFFFE000  }
0xfc: {  	[tilespmem:s6], [sflag:$0x6] =	stream.indirect.gather [hbm4b:s4+s25], $0x40, s24, s25, $0xb8;
	[tilespmem:$0x16400] =	vst v63  }
0xfd: {  	_ =	swait.ge [sflag:s7], $0x2000  }
0xfe: {  	[sflag:s7] =	ssyncset.done $0x0  }
0xff: {  	s26 =	rddreg [dreg:$0x16];
	[sflag:s7] =	ssyncadd.s32 $0xFFFFE000  }
0x100: {  	[hbm4b:s26+s3] =	stream.linear.scatter [tilespmem:s31], [sflag:$0xB], $0x2000, $0x38;
	[tilespmem:$0x16400] =	vst v63  }
0x101: {  	_ =	swait.ge [sflag:s21], $0x2000  }
0x102: {  	[sflag:s21] =	ssyncset.done $0x0  }
0x103: {  	s29 =	simm.s32 $0x12400;
	s30 =	simm.s32 $0x6300;
	[sflag:s21] =	ssyncadd.s32 $0xFFFFE000  }
0x104: {  	[tilespmem:s29], [sflag:$0x7] =	stream.indirect.gather [hbm4b:s4+s25], $0x40, s30, s25, $0xb8;
	[tilespmem:$0x16400] =	vst v63  }
0x105: {  	_ =	swait.ge [sflag:s9], $0x2000  }
0x106: {  	[sflag:s9] =	ssyncset.done $0x0  }
0x107: {  	s31 =	rddreg [dreg:$0x17];
	[sflag:s9] =	ssyncadd.s32 $0xFFFFE000  }
0x108: {  	[hbm4b:s31+s3] =	stream.linear.scatter [tilespmem:s5], [sflag:$0xC], $0x2000, $0x38;
	[tilespmem:$0x16400] =	vst v63  }
0x109: {  	_ =	swait.ge [sflag:s22], $0x2000  }
0x10a: {  	[sflag:s22] =	ssyncset.done $0x0  }
0x10b: {  	s8 =	simm.s32 $0x14400;
	s10 =	simm.s32 $0x6380;
	[sflag:s22] =	ssyncadd.s32 $0xFFFFE000  }
0x10c: {  	[tilespmem:s8], [sflag:$0x8] =	stream.indirect.gather [hbm4b:s4+s25], $0x40, s10, s25, $0xb8;
	[tilespmem:$0x16400] =	vst v63  }
0x10d: {  	_ =	swait.ge [sflag:s11], $0x2000  }
0x10e: {  	[sflag:s11] =	ssyncset.done $0x0  }
0x10f: {  	s23 =	rddreg [dreg:$0x18];
	[sflag:s11] =	ssyncadd.s32 $0xFFFFE000  }
0x110: {  	[hbm4b:s23+s3] =	stream.linear.scatter [tilespmem:s1], [sflag:$0xD], $0x2000, $0x38;
	[tilespmem:$0x16400] =	vst v63  }
0x111: {  	_ =	swait.ge [sflag:s12], $0x2000  }
0x112: {  	[sflag:s12] =	ssyncset.done $0x0  }
0x113: {  	[sflag:s12] =	ssyncadd.s32 $0xFFFFE000  }
0x114: {  	_ =	swait.ge [sflag:s13], $0x2000  }
0x115: {  	[sflag:s13] =	ssyncset.done $0x0  }
0x116: {  	s24 =	rddreg [dreg:$0x19];
	[sflag:s13] =	ssyncadd.s32 $0xFFFFE000  }
0x117: {  	[hbm4b:s24+s3] =	stream.linear.scatter [tilespmem:s6], [sflag:$0xE], $0x2000, $0x38;
	[tilespmem:$0x16400] =	vst v63  }
0x118: {  	_ =	swait.ge [sflag:s14], $0x2000  }
0x119: {  	[sflag:s14] =	ssyncset.done $0x0  }
0x11a: {  	[sflag:s14] =	ssyncadd.s32 $0xFFFFE000  }
0x11b: {  	_ =	swait.ge [sflag:s15], $0x2000  }
0x11c: {  	[sflag:s15] =	ssyncset.done $0x0  }
0x11d: {  	s26 =	rddreg [dreg:$0x1a];
	[sflag:s15] =	ssyncadd.s32 $0xFFFFE000  }
0x11e: {  	[hbm4b:s26+s3] =	stream.linear.scatter [tilespmem:s29], [sflag:$0xF], $0x2000, $0x38;
	[tilespmem:$0x16400] =	vst v63  }
0x11f: {  	_ =	swait.ge [sflag:s16], $0x2000  }
0x120: {  	[sflag:s16] =	ssyncset.done $0x0  }
0x121: {  	[sflag:s16] =	ssyncadd.s32 $0xFFFFE000  }
0x122: {  	_ =	swait.ge [sflag:s17], $0x2000  }
0x123: {  	[sflag:s17] =	ssyncset.done $0x0  }
0x124: {  	s29 =	rddreg [dreg:$0x1b];
	[sflag:s17] =	ssyncadd.s32 $0xFFFFE000  }
0x125: {  	[hbm4b:s29+s3] =	stream.linear.scatter [tilespmem:s8], [sflag:$0x10], $0x2000, $0x38;
	[tilespmem:$0x16400] =	vst v63  }
0x126: {  	_ =	swait.ge [sflag:s18], $0x2000  }
0x127: {  	[sflag:s18] =	ssyncset.done $0x0  }
0x128: {  	[sflag:s18] =	ssyncadd.s32 $0xFFFFE000  }
0x129: {  	_ =	swait.ge [sflag:s19], $0x2000  }
0x12a: {  	[sflag:s19] =	ssyncset.done $0x0  }
0x12b: {  	[sflag:s19] =	ssyncadd.s32 $0xFFFFE000  }
0x12c: {  	_ =	swait.ge [sflag:s20], $0x2000  }
0x12d: {  	[sflag:s20] =	ssyncset.done $0x0  }
0x12e: {  	[sflag:s20] =	ssyncadd.s32 $0xFFFFE000  }
0x12f: {  	_ =	swait.ge [sflag:s21], $0x2000  }
0x130: {  	[sflag:s21] =	ssyncset.done $0x0  }
0x131: {  	[sflag:s21] =	ssyncadd.s32 $0xFFFFE000  }
0x132: {  	_ =	swait.ge [sflag:s22], $0x2000  }
0x133: {  	s30 =	rddreg [dreg:$0x1e]  }
0x134: {  	s31 =	rddreg [dreg:$0x1c];
	s0 =	sadd.s32 $0x1, s30  }
0x135: {  	p0 =	sne.s32 s0, s31  }
.Ltmp1:
0x136: {  	_ = 	snop;
	(pc) =	sbr.rel @p0 .LBB2_1-.Ltmp1, $3  }
0x137: {  	_ =	sdelay $0x1  }
0x138: {  	[sflag:s22] =	ssyncset.done $0x0  }
0x139: {  	[sflag:s22] =	ssyncadd.s32 $0xFFFFE000  }
0x13a: {  	_ =	sfence.sel $0x180000  }
0x13b: {  	[bflag:$0x0] =	sbarrier.arrive $0xFFFF  }
0x13c: {  	_ =	strace $0x90000047  }
0x13d: {  	s0 =	stileid.u32;
	[bflag:$0x2] =	sbarrier.arrive $0xFFFF  }
0x13e: {  	p0 =	sne.s32 s0, $0x0;
	s0 =	rddreg [dreg:$0x3]  }
0x13f: {  	s0 =	sadd.s32 @!p0 $0x100000, s0  }
0x140: {  	[sflag:s0] =	ssyncadd.tile.s32 @!p0 $0x1;
	_ =	shalt  }
.Lfunc_end2:
_tile_overlayer_lowered:
.L_overlay_start_2:
0x141: {  	(tag) =	ssettag $0x2  }
0x142: {  	s0 =	rddreg [dreg:$0x0];
	s2 =	stileid.u32  }
0x143: {  	s1 =	rddreg [dreg:$0x1];
	p0 =	sne.s32 s2, $0x0  }
0x144: {  	s3 =	rddreg [dreg:$0x2];
	[bflag:$0x3] =	sbarrier.arrive $0xFFFF;
	s2 =	simm.s32 @!p0 $0x1C11  }
0x145: {  	[timem:s3], [sflag:s2] =	dma.local @!p0 [hbm:s0], s1  }
0x146: {  	s0 =	simm.s32 @!p0 $0x11  }
0x147: {  	_ =	swait.ge @!p0 [sflag:s0], s1  }
0x148: {  	s1 =	ssub.s32 @!p0 $0x0, s1;
	[sflag:s0] =	ssyncset.done @!p0 $0x0  }
0x149: {  	[sflag:s0] =	ssyncadd.s32 @!p0 s1  }
0x14a: {  	[bflag:$0x3] =	sbarrier.arrive $0xFFFF  }
0x14b: {  	_ =	shalt  }

// kernel: sparse-core-data-format-call.cloned.1.call-start
scs
called_computation_lowered:
.L_overlay_start_0:
0x0: {  	s2 =	sld [smem:$0x3FD9]  }
0x1: {  	s3 =	sld [smem:$0x3FFE];
	_ =	sdelay $0x1  }
0x2: {  	s1 =	srdreg.scid  }
0x3: {  	s0 =	sand.u32 $0x1, s1  }
0x4: {  	s18 =	sshll.u32 s0, $0xA;
	s2 =	sadd.s32 s3, s2  }
0x5: {  	s2 =	sadd.s32 s2, s18  }
0x6: {  	[smem:$0x3FC6] =	sst s2  }
0x7: {  	_ = 	snop  }
0x8: {  	s2 =	sld [smem:$0x3FD0];
	(tm) =	ssettm $0x1  }
0x9: {  	s19 =	sld [smem:$0x3FFB];
	_ =	sdelay $0x3  }
0xa: {  	_ =	strace s19  }
0xb: {  	s3 =	sld [smem:$0x3FFC];
	_ =	sdelay $0x3  }
0xc: {  	_ =	strace s3  }
0xd: {  	s3 =	sld [smem:$0x3FFD];
	_ =	sdelay $0x3  }
0xe: {  	_ =	strace s3  }
0xf: {  	_ =	strace $0x8FFFFFFF  }
0x10: {  	s20 =	sld [smem:$0x3FDB];
	_ =	sdelay $0x1  }
0x11: {  	s4 =	simm.s32 $_scs_section_size  }
0x12: {  	s5 =	simm.s32 $_size__tile_overlayer_lowered;
	s6 =	simm.s32 $_tile_overlayer_lowered  }
0x13: {  	s23 =	simm.s32 $0x1BFF;
	s22 =	sshll.u32 s6, $0x1;
	s3 =	sadd.s32 s4, s20  }
0x14: {  	s7 =	simm.s32 $0x0;
	s21 =	sshll.u32 s5, $0x1;
	s5 =	sadd.s32 s22, s3  }
0x15: {  	[timem:s7], [sflag:s23] =	dma.local [hbm:s5], s21  }
0x16: {  	_ =	swait.ge [sflag:s23], s21  }
0x17: {  	s4 =	ssub.s32 $0x0, s21;
	[sflag:s23] =	ssyncset.done $0x0  }
0x18: {  	[sflag:s23] =	ssyncadd.s32 s4;
	_ =	sdelay $0x1  }
0x19: {  	s24 =	simm.s32 $0x1B8B  }
0x1a: {  	_ =	swait.ge [sflag:s24], $0x1  }
0x1b: {  	[sflag:s24] =	ssyncset.done $0x0  }
0x1c: {  	s26 =	simm.s32 $0x1B8E;
	s25 =	sld [smem:$0x3FFE];
	[sflag:s24] =	ssyncadd.s32 $0xFFFFFFFF  }
0x1d: {  	s27 =	simm.s32 $execute0_lowered;
	[smem:$0x3FD2] =	sst s26  }
0x1e: {  	s5 =	sshll.u32 s27, $0x1;
	_ =	strace $0x80000049;
	[dreg:$0x1] =	wrdreg $0xFFFFFFFF  }
0x1f: {  	s28 =	simm.s32 $_size_execute0_lowered;
	s3 =	sadd.s32 s3, s5;
	[dreg:$0x0] =	wrdreg $0x0  }
0x20: {  	s5 =	sshll.u32 s28, $0x1;
	[dreg:$0x2] =	wrdreg s3  }
0x21: {  	[dreg:$0x3] =	wrdreg s5  }
0x22: {  	[dreg:$0x4] =	wrdreg $0xC0  }
0x23: {  	_ =	task [dreg:s7], $0x5FFFF  }
0x24: {  	[dreg:$0x1] =	wrdreg $0xFFFFFFFF  }
0x25: {  	[dreg:$0x0] =	wrdreg $0x60  }
0x26: {  	[dreg:$0x2] =	wrdreg s25  }
0x27: {  	[dreg:$0x3] =	wrdreg s2  }
0x28: {  	[dreg:$0x4] =	wrdreg $0x9  }
0x29: {  	_ =	task.clear_ibuf [dreg:s7], $0x5FFFF;
	_ =	strace $0x90000049  }
0x2a: {  	s29 =	simm.s32 $0x9;
	_ =	strace $0x8000004B  }
0x2b: {  	_ =	swait.ge [sflag:s29], $0x1  }
0x2c: {  	[sflag:s29] =	ssyncadd.s32 $0xFFFFFFFF  }
0x2d: {  	_ =	strace $0x9000004B  }
0x2e: {  	_ =	sfence  }
0x2f: {  	s30 =	sld [smem:$0x0];
	_ =	sdelay $0x2  }
0x30: {  	s31 =	sshll.u32 s1, $0xD;
	s1 =	sshrl.u32 s1, $0x2  }
0x31: {  	s3 =	sand.u32 $0x4000, s31;
	s1 =	sadd.s32 s1, s30  }
0x32: {  	s0 =	sor.u32 s3, s0;
	s1 =	sshll.u32 s1, $0x11  }
0x33: {  	s0 =	sor.u32 s1, s0  }
0x34: {  	s0 =	sadd.s32 $0x8F2B, s0  }
0x35: {  	[sflag:s0] =	ssyncadd.remote.s32 $0x1  }
0x36: {  	_ =	sfence.sel $0xFFFF  }
0x37: {  	[dreg:$0x0] =	wrdreg $0xFFFFFFFF;
	(pc) =	sbr.abs _section_cstart, $3  }
0x38: {  	[dreg:$0x1] =	wrdreg $0xFFFFFFFF  }
0x39: {  	_ =	task.clear_ibuf [dreg:s7], $0x2FFFF;
	_ =	strace $0x9FFFFFFF  }
0x3a: {  	(tm) =	ssettm $0x7FFFFFFF  }
0x3b: {  	_ =	shalt  }
tec
execute0_lowered:
.L_overlay_start_1:
0x0: {  	(tag) =	ssettag $0x1  }
0x1: {  	s0 =	srdreg.scid  }
0x2: {  	s1 =	sshll.u32 s0, $0x4  }
0x3: {  	s4 =	rddreg [dreg:$0x0];
	s0 =	stileid.u32;
	s1 =	sand.u32 $0x10, s1  }
0x4: {  	s2 =	rddreg [dreg:$0x1];
	s7 =	simm.s32 $0x1;
	s1 =	sor.u32 s0, s1  }
0x5: {  	s8 =	simm.s32 $0x2;
	s11 =	simm.s32 $0x0;
	s3 =	sshll.u32 s1, $0x7  }
0x6: {  	s10 =	simm.s32 $0x0;
	s4 =	sadd.s32 $0x800, s4;
	s6 =	ssub.s32 $0xC8000, s3  }
.Ltmp0:
0x7: {  	s1 =	rddreg [dreg:$0x2];
	s5 =	sand.u32 $0xF80, s6;
	(pc) =	sbr.rel .LBB1_1-.Ltmp0, $4  }
0x8: {  	_ =	strace $0x8000004A;
	s9 =	smov.u32 s3;
	p0 =	sne.s32 s5, $0x0  }
0x9: {  	s6 =	sshrl.u32 s6, $0xC;
	s5 =	simm.s32 $0x1;
	s7 =	simm.s32 @!p0 $0x0  }
0xa: {  	[sflag:s5] =	ssyncpa.u1 $0x0;
	p0 =	por $0x0, $0x0;
	s6 =	sadd.s32 s7, s6  }
0xb: {  	[sflag:s8] =	ssyncpa.u1 $0x0;
	s8 =	simm.s32 $0x640000;
	s7 =	sadd.s32 $0x1, s6  }
.LBB1_4:
0xc: {  	s14 =	sshll.u32 s11, $0x3  }
0xd: {  	s30 =	sand.u32 $0x7F, s11;
	s15 =	sand.u32 $0xFFFFFC00, s14  }
0xe: {  	s11 =	sor.u32 s30, s15  }
0xf: {  	s15 =	smulhi.u32 $0x51EB851F, s11  }
0x10: {  	s14 =	smulhi.u32 $0x51EB851F, s14  }
0x11: {  	s15 =	sshrl.u32 s15, $0x12  }
0x12: {  	s14 =	sshrl.u32 s14, $0x12;
	s15 =	smul.u32 $0xC8000, s15  }
0x13: {  	s14 =	sand.u32 $0x3F, s14  }
0x14: {  	s14 =	smul.u32 $0x19000, s14;
	s11 =	ssub.s32 s11, s15  }
0x15: {  	[tilespmem:s13+$0x810 ss:$0x81] =	vst.msk $0xffff, v2;
	s15 =	sand.u32 $0x7, s11  }
0x16: {  	[tilespmem:s13+$0x1020 ss:$0x81] =	vst.msk $0xffff, v0;
	s14 =	sadd.s32 s2, s14;
	s11 =	sshrl.u32 s11, $0x3;
	s15 =	sshll.u32 s15, $0x12  }
0x17: {  	[tilespmem:s13+$0x0 ss:$0x81] =	vst.msk $0xffff, v1;
	s11 =	sadd.s32 s11, s14;
	s31 =	sor.u32 $0x400, s15  }
0x18: {  	[hbm4b:s11+s31] =	stream.strided.scatter [tilespmem:s12], [sflag:$0x2], $0x2000, s8, s31, $0x20;
	[tilespmem:$0x8080] =	vst v63  }
.LBB1_5:
0x19: {  	s13 =	sadd.s32 $0x1000, s9  }
0x1a: {  	p2 =	sgt.s32 s13, $0xC7FFF  }
0x1b: {  	s13 =	smov.u32 @p2 s3;
	p2 =	sne.s32 s10, s7  }
.Ltmp1:
0x1c: {  	p1 =	slt.u32 s10, $0x2;
	(pc) =	sbr.rel @!p2 .LBB1_6-.Ltmp1, $4  }
0x1d: {  	s12 =	simm.s32 @!p1 $0x2  }
0x1e: {  	s14 =	sadd.s32 $0x1, s10;
	_ =	swait.ge @!p1 [sflag:s12], $0x2000  }
0x1f: {  	s11 =	smov.u32 s9;
	p0 =	por !p0, !p0;
	[sflag:s12] =	ssyncset.done @!p1 $0x0  }
0x20: {  	s10 =	smov.u32 s14;
	s9 =	smov.u32 s13;
	[sflag:s12] =	ssyncadd.s32 @!p1 $0xFFFFE000  }
.LBB1_1:
0x21: {  	p1 =	sge.u32 s10, s6  }
0x22: {  	s12 =	sand.u32 @!p1 $0x1FFFFFF, s9  }
0x23: {  	s13 =	smulhi.u32 @!p1 $0x147AE15, s12;
	_ =	sdelay $0x1  }
0x24: {  	s13 =	sshrl.u32 @!p1 s13, $0xC  }
0x25: {  	s13 =	smul.u32 @!p1 $0xC8000, s13;
	_ =	sdelay $0x1  }
0x26: {  	s31 =	sadd.s32 $0xFFFFFFFF, s10;
	s14 =	sxor.u32 @!p1 $0xFFFFFFFF, s10;
	s12 =	ssub.s32 @!p1 s12, s13  }
0x27: {  	s15 =	simm.s32 @!p1 $0x80;
	s14 =	sshll.u32 @!p1 s14, $0xD;
	s12 =	sshll.u32 @!p1 s12, $0x4  }
0x28: {  	s13 =	sand.u32 @!p1 $0x2000, s14;
	s14 =	simm.s32 @!p1 $0x40;
	s12 =	sadd.s32 @!p1 s4, s12  }
0x29: {  	[tilespmem:s13], [sflag:$0x1] =	stream.strided.gather @!p1 [hbm4b:s12+s14], $0x2000, s15, s14, $0x38;
	[tilespmem:$0x8080] =	vst v63  }
0x2a: {  	p1 =	sge.u32 s31, s6  }
.Ltmp2:
0x2b: {  	_ = 	snop;
	(pc) =	sbr.rel @p1 .LBB1_5-.Ltmp2, $1  }
0x2c: {  	_ =	sdelay $0x3  }
0x2d: {  	s12 =	simm.s32 $0x1  }
0x2e: {  	_ =	swait.ge [sflag:s5], $0x2000;
	s12 =	simm.s32 @!p0 $0x0  }
0x2f: {  	[sflag:s5] =	ssyncset.done $0x0;
	s13 =	sshll.u32 s12, $0xD  }
0x30: {  	[sflag:s5] =	ssyncadd.s32 $0xFFFFE000;
	s16 =	sor.u32 $0x20, s13  }
0x31: {  	s12 =	smul.u32 $0x8100, s12;
	v3 =	vld [tilespmem:s16+$0x10]  }
0x32: {  	s30 =	sand.u32 $0x1, s10;
	v2 =	vld [tilespmem:s16+$0xFFFFFFF0]  }
0x33: {  	s13 =	smul.u32 $0x8100, s30;
	s12 =	sshrl.u32 s12, $0x2;
	v0 =	vld [tilespmem:s16+$0x0]  }
0x34: {  	v1 =	vld [tilespmem:s16+$0xFFFFFFE0];
	s14 =	sor.u32 $0x4000, s12  }
0x35: {  	s31 =	sshrl.u32 s13, $0x2;
	s13 =	sadd.s32 $0x0, s14  }
0x36: {  	s15 =	simm.s32 $0x4;
	s16 =	sadd.s32 $0x40, s16;
	s12 =	sor.u32 $0x4000, s31;
	[tilespmem:s13+$0x1830 ss:$0x81] =	vst.msk $0xffff, v3  }
.LBB1_3:
0x37: {  	v3 =	vld [tilespmem:s16+$0x10];
	p1 =	sne.s32 s15, $0x1FC;
	[tilespmem:s13+$0x810 ss:$0x81] =	vst.msk $0xffff, v2;
	s17 =	smov.u32 s15;
	s15 =	sadd.s32 $0x4, s15  }
.Ltmp3:
0x38: {  	v2 =	vld [tilespmem:s16+$0xFFFFFFF0];
	[tilespmem:s13+$0x1020 ss:$0x81] =	vst.msk $0xffff, v0;
	(pc) =	sbr.rel @p1 .LBB1_3-.Ltmp3, $4  }
0x39: {  	v0 =	vld [tilespmem:s16+$0x0];
	[tilespmem:s13+$0x0 ss:$0x81] =	vst.msk $0xffff, v1  }
0x3a: {  	s13 =	sshra.s32 s17, $0x2;
	v1 =	vld [tilespmem:s16+$0xFFFFFFE0]  }
0x3b: {  	s13 =	sadd.s32 s13, s14  }
0x3c: {  	s16 =	sadd.s32 $0x40, s16;
	[tilespmem:s13+$0x1830 ss:$0x81] =	vst.msk $0xffff, v3  }
.Ltmp4:
0x3d: {  	_ = 	snop;
	(pc) =	sbr.rel .LBB1_4-.Ltmp4, $1  }
0x3e: {  	_ =	sdelay $0x3  }
.LBB1_6:
0x3f: {  	_ =	sfence.sel $0x180000  }
0x40: {  	s2 =	simm.s32 $0x1;
	[bflag:$0x0] =	sbarrier.arrive $0xFFFF  }
0x41: {  	s31 =	simm.s32 $0x2;
	[sflag:s2] =	ssyncpa.u1 $0x1  }
0x42: {  	[sflag:s31] =	ssyncpa.u1 $0x1  }
0x43: {  	p0 =	sne.s32 s0, $0x0;
	_ =	strace $0x9000004A  }
0x44: {  	s0 =	sadd.s32 @!p0 $0x100000, s1;
	[bflag:$0x2] =	sbarrier.arrive $0xFFFF  }
0x45: {  	[sflag:s0] =	ssyncadd.tile.s32 @!p0 $0x1;
	_ =	shalt  }
.Lfunc_end1:
_tile_overlayer_lowered:
.L_overlay_start_2:
0x46: {  	(tag) =	ssettag $0x2  }
0x47: {  	s0 =	rddreg [dreg:$0x0];
	s2 =	stileid.u32  }
0x48: {  	s1 =	rddreg [dreg:$0x1];
	p0 =	sne.s32 s2, $0x0  }
0x49: {  	s3 =	rddreg [dreg:$0x2];
	[bflag:$0x3] =	sbarrier.arrive $0xFFFF;
	s2 =	simm.s32 @!p0 $0x1C01  }
0x4a: {  	[timem:s3], [sflag:s2] =	dma.local @!p0 [hbm:s0], s1  }
0x4b: {  	s0 =	simm.s32 @!p0 $0x1  }
0x4c: {  	_ =	swait.ge @!p0 [sflag:s0], s1  }
0x4d: {  	s1 =	ssub.s32 @!p0 $0x0, s1;
	[sflag:s0] =	ssyncset.done @!p0 $0x0  }
0x4e: {  	[sflag:s0] =	ssyncadd.s32 @!p0 s1  }
0x4f: {  	[bflag:$0x3] =	sbarrier.arrive $0xFFFF  }
0x50: {  	_ =	shalt  }

</sc_bundles>
